<compile_context>
chip_gen: v7x
topology: tpu7x:2x2x1
jax: 0.10.2.dev20260603
libtpu: 0.0.44.dev20260713+nightly
codegen_flags: <defaults>
</compile_context>

<pallas_src>
import jax
import jax.numpy as jnp
from jax import lax
from jax.experimental import pallas as pl
from jax.experimental.pallas import tpu as pltpu
from jax.experimental.pallas import tpu_sc as plsc

N = 10000
D = 128
E = 320000
G = 128
EPS = 1e-5

NC = 2
NS = 16
NW = NC * NS
BLK = 128
NB0 = 112
NB1 = 48
NBMAX = max(NB0, NB1)
N_PAD = 10112
RPT = N_PAD // NS

_MESH = plsc.VectorSubcoreMesh(core_axis_name="c", subcore_axis_name="s")



def _sc_edge_body(hwp_hbm, src_hbm, dst_hbm, zrow_hbm, out_hbm,
                  src_v, dst_v, rows0, agg, sem0):
    c = lax.axis_index("c")
    s = lax.axis_index("s")
    w = c * NS + s
    base = s * RPT

    pltpu.sync_copy(zrow_hbm, agg.at[pl.ds(base, RPT)])
    pltpu.sync_copy(src_hbm.at[w], src_v)
    pltpu.sync_copy(dst_hbm.at[w], dst_v)
    plsc.subcore_barrier()

    nb = jnp.where(c == 0, NB0, NB1)

    @pl.loop(0, nb)
    def _(j):
        pltpu.async_copy(hwp_hbm.at[src_v.at[j]], rows0, sem0).wait()
        pltpu.sync_copy(rows0, agg.at[dst_v.at[j]], add=True)

    plsc.subcore_barrier()
    pltpu.sync_copy(agg.at[pl.ds(base, RPT)],
                    out_hbm.at[c, pl.ds(base, RPT)])


def _sc_edge(hwp, src3, dst3, zrow):
    f = pl.kernel(
        _sc_edge_body,
        out_type=jax.ShapeDtypeStruct((NC, N_PAD, D), jnp.float32),
        mesh=_MESH,
        scratch_types=[
            pltpu.VMEM((NBMAX, BLK), jnp.int32),
            pltpu.VMEM((NBMAX, BLK), jnp.int32),
            pltpu.VMEM((BLK, D), jnp.float32),
            pltpu.VMEM_SHARED((N_PAD, D), jnp.float32),
            pltpu.SemaphoreType.DMA,
        ],
    )
    return f(hwp, src3, dst3, zrow)


def _sc_deg_body(dst_hbm, zrow_hbm, out_hbm, dst_v, ones_v, agg, sem):
    c = lax.axis_index("c")
    s = lax.axis_index("s")
    w = c * NS + s
    base = s * RPT

    pltpu.sync_copy(zrow_hbm, agg.at[pl.ds(base, RPT)])
    pltpu.sync_copy(dst_hbm.at[w], dst_v)

    @pl.loop(0, BLK)
    def _(i):
        ones_v[i, :] = jnp.full((16,), 1.0, jnp.float32)

    plsc.subcore_barrier()

    nb = jnp.where(c == 0, NB0, NB1)

    @pl.loop(0, nb)
    def _(j):
        pltpu.sync_copy(ones_v, agg.at[dst_v.at[j]], add=True)

    plsc.subcore_barrier()
    pltpu.sync_copy(agg.at[pl.ds(base, RPT)],
                    out_hbm.at[c, pl.ds(base, RPT)])


def _sc_deg(dst3, zrow16):
    f = pl.kernel(
        _sc_deg_body,
        out_type=jax.ShapeDtypeStruct((NC, N_PAD, 16), jnp.float32),
        mesh=_MESH,
        scratch_types=[
            pltpu.VMEM((NBMAX, BLK), jnp.int32),
            pltpu.VMEM((BLK, 16), jnp.float32),
            pltpu.VMEM_SHARED((N_PAD, 16), jnp.float32),
            pltpu.SemaphoreType.DMA,
        ],
    )
    return f(dst3, zrow16)



def _init_body(degp_ref, feat_ref, wemb_ref, bemb_ref, w1_ref,
               h0_ref, hwp1_ref, dinv_ref):
    dsum = jnp.sum(degp_ref[0, :N, :] + degp_ref[1, :N, :],
                   axis=1, keepdims=True)
    deg = dsum * (1.0 / 16.0) + 1.0
    dinv = lax.rsqrt(deg)
    h0 = jnp.dot(feat_ref[...], wemb_ref[...],
                 preferred_element_type=jnp.float32) + bemb_ref[...]
    h0_ref[...] = h0
    dinv_ref[...] = dinv
    hwp1_ref[...] = jnp.dot(h0, w1_ref[...],
                            preferred_element_type=jnp.float32) * dinv


def _finish_body(hprev_ref, hwp_ref, part_ref, dinv_ref, b_ref, g_ref,
                 beta_ref, wn_ref, h_ref, hwpn_ref):
    dinv = dinv_ref[...]
    s = part_ref[0, :N, :] + part_ref[1, :N, :] + hwp_ref[...]
    agg = s * dinv + b_ref[...]
    mu = jnp.mean(agg, axis=0, keepdims=True)
    var = jnp.mean((agg - mu) ** 2, axis=0, keepdims=True)
    hbn = (agg - mu) * lax.rsqrt(var + EPS) * g_ref[...] + beta_ref[...]
    h = hprev_ref[...] + jnp.maximum(hbn, 0.0)
    h_ref[...] = h
    hwpn_ref[...] = jnp.dot(h, wn_ref[...],
                            preferred_element_type=jnp.float32) * dinv


def _final_body(hprev_ref, hwp_ref, part_ref, dinv_ref, b_ref, g_ref,
                beta_ref, batch_ref, w0_ref, b0_ref, w1_ref, b1_ref,
                w2_ref, b2_ref, out_ref):
    dinv = dinv_ref[...]
    s = part_ref[0, :N, :] + part_ref[1, :N, :] + hwp_ref[...]
    agg = s * dinv + b_ref[...]
    mu = jnp.mean(agg, axis=0, keepdims=True)
    var = jnp.mean((agg - mu) ** 2, axis=0, keepdims=True)
    hbn = (agg - mu) * lax.rsqrt(var + EPS) * g_ref[...] + beta_ref[...]
    h = hprev_ref[...] + jnp.maximum(hbn, 0.0)
    row_ids = lax.broadcasted_iota(jnp.int32, (G, N), 0)
    oh = (row_ids == batch_ref[...]).astype(jnp.float32)
    sums = jnp.dot(oh, h, preferred_element_type=jnp.float32)
    counts = jnp.sum(oh, axis=1, keepdims=True)
    hg = sums / jnp.maximum(counts, 1.0)
    hg = jnp.maximum(jnp.dot(hg, w0_ref[...],
                             preferred_element_type=jnp.float32) + b0_ref[...], 0.0)
    hg = jnp.maximum(jnp.dot(hg, w1_ref[...],
                             preferred_element_type=jnp.float32) + b1_ref[...], 0.0)
    out_ref[...] = jnp.dot(hg, w2_ref[...],
                           preferred_element_type=jnp.float32) + b2_ref[...]



def kernel(feature, params, edge_index, batch):
    src = edge_index[0]
    dst = edge_index[1]
    def _chunk3(a, dummy, nbc, lo, hi, slots):
        npad = NS * nbc * BLK - (hi - lo)
        x = jnp.concatenate([a[lo:hi], dummy[:npad]]).reshape(NS, nbc, BLK)
        if nbc < NBMAX:
            x = jnp.concatenate(
                [x, jnp.zeros((NS, NBMAX - nbc, BLK), jnp.int32)], axis=1)
        return x

    maxpad = NS * max(NB0, NB1) * BLK
    dum_dst = N + jnp.arange(maxpad, dtype=jnp.int32) % (N_PAD - N)
    dum_src = jnp.zeros((maxpad,), jnp.int32)
    e0 = min(NS * NB0 * BLK, E)
    src3 = jnp.concatenate([_chunk3(src, dum_src, NB0, 0, e0, None),
                            _chunk3(src, dum_src, NB1, e0, E, None)], axis=0)
    dst3 = jnp.concatenate([_chunk3(dst, dum_dst, NB0, 0, e0, None),
                            _chunk3(dst, dum_dst, NB1, e0, E, None)], axis=0)
    zrow = jnp.zeros((RPT, D), jnp.float32)
    zrow16 = jnp.zeros((RPT, 16), jnp.float32)

    degp = _sc_deg(dst3, zrow16)

    wemb, bemb = params["emb"]
    gcn = params["gcn"]

    h0, hwp1, dinv = pl.pallas_call(
        _init_body,
        out_shape=[jax.ShapeDtypeStruct((N, D), jnp.float32),
                   jax.ShapeDtypeStruct((N, D), jnp.float32),
                   jax.ShapeDtypeStruct((N, 1), jnp.float32)],
    )(degp, feature, wemb, bemb[None, :], gcn[0]["W"])

    h, hwp = h0, hwp1
    for l in range(3):
        part = _sc_edge(hwp, src3, dst3, zrow)
        lyr = gcn[l]
        wn = gcn[l + 1]["W"]
        h, hwp = pl.pallas_call(
            _finish_body,
            out_shape=[jax.ShapeDtypeStruct((N, D), jnp.float32),
                       jax.ShapeDtypeStruct((N, D), jnp.float32)],
        )(h, hwp, part, dinv, lyr["b"][None, :], lyr["gamma"][None, :],
          lyr["beta"][None, :], wn)

    part = _sc_edge(hwp, src3, dst3, zrow)
    lyr = gcn[3]
    (w0, b0), (w1, b1), (w2, b2) = params["mlp"]
    out = pl.pallas_call(
        _final_body,
        out_shape=jax.ShapeDtypeStruct((G, params["mlp"][2][0].shape[1]),
                                       jnp.float32),
    )(h, hwp, part, dinv, lyr["b"][None, :], lyr["gamma"][None, :],
      lyr["beta"][None, :], batch[None, :], w0, b0[None, :], w1, b1[None, :],
      w2, b2[None, :])
    return out

# --- scband reference (transcript-rebuilt; emitter-appended) ---
"""Pipeline reference for scband-gcnnet-40699110097234 (READ-ONLY COPY).

The authoritative reference and input builder live on the scoring server;
editing this copy changes nothing except your own understanding.
"""

import jax, jax.numpy as jnp
import numpy as np

N_NODES = 10000
D_IN = 128
HIDDEN = 128
OUT = 128
N_CLASSES = 10
N_EDGES = 320000
N_GRAPHS = 128
N_LAYERS = 4


def _dense_params(key, d_in, d_out):
    kw, _ = jax.random.split(key)
    W = 0.05 * jax.random.normal(kw, (d_in, d_out), dtype=jnp.float32)
    b = jnp.zeros((d_out,), dtype=jnp.float32)
    return W, b


def setup_inputs(seed: int = 0) -> dict:
    key = jax.random.key(seed)
    ks = jax.random.split(key, 16)
    feature = jax.random.normal(ks[0], (N_NODES, D_IN), dtype=jnp.float32)
    edge_index = jax.random.randint(ks[1], (2, N_EDGES), 0, N_NODES, dtype=jnp.int32)
    batch = jnp.sort(jax.random.randint(ks[2], (N_NODES,), 0, N_GRAPHS, dtype=jnp.int32))
    params = {}
    params["emb"] = _dense_params(ks[3], D_IN, HIDDEN)
    gcn = []
    for l in range(N_LAYERS):
        d_out = HIDDEN if l < N_LAYERS - 1 else OUT
        W, b = _dense_params(ks[4 + l], HIDDEN, d_out)
        gcn.append({"W": W, "b": b, "gamma": jnp.ones((d_out,), jnp.float32), "beta": jnp.zeros((d_out,), jnp.float32)})
    params["gcn"] = gcn
    # MLPReadout with L=2: OUT -> OUT//2 -> OUT//4 -> n_classes
    params["mlp"] = [
        _dense_params(ks[9], OUT, OUT // 2),
        _dense_params(ks[10], OUT // 2, OUT // 4),
        _dense_params(ks[11], OUT // 4, N_CLASSES),
    ]
    return {"feature": feature, "params": params, "edge_index": edge_index, "batch": batch}


def _forward(feature, params, edge_index, batch):
    n = feature.shape[0]
    src, dst = edge_index[0], edge_index[1]
    loops = jnp.arange(n, dtype=src.dtype)
    src2 = jnp.concatenate([src, loops])
    dst2 = jnp.concatenate([dst, loops])
    deg = jax.ops.segment_sum(jnp.ones_like(dst2, dtype=jnp.float32), dst2, num_segments=n)
    dinv = jax.lax.rsqrt(deg)
    norm = dinv[src2] * dinv[dst2]
    # embedding_h (dropout p=0 -> identity)
    h = feature @ params["emb"][0] + params["emb"][1]
    for lyr in params["gcn"]:
        h_in = h
        hw = h @ lyr["W"]
        msg = jnp.take(hw, src2, axis=0) * norm[:, None]
        agg = jax.ops.segment_sum(msg, dst2, num_segments=n) + lyr["b"]
        # BatchNorm1d (batch statistics)
        mu = jnp.mean(agg, axis=0)
        var = jnp.var(agg, axis=0)
        hbn = (agg - mu) / jnp.sqrt(var + 1e-5) * lyr["gamma"] + lyr["beta"]
        h = jax.nn.relu(hbn)
        h = h_in + h  # residual (dims match)
    # mean readout per graph
    sums = jax.ops.segment_sum(h, batch, num_segments=N_GRAPHS)
    counts = jax.ops.segment_sum(jnp.ones((n,), jnp.float32), batch, num_segments=N_GRAPHS)
    hg = sums / jnp.clip(counts, 1.0)[:, None]
    # MLPReadout
    for W, b in params["mlp"][:-1]:
        hg = jax.nn.relu(hg @ W + b)
    W, b = params["mlp"][-1]
    return hg @ W + b


def reference(feature, params, edge_index, batch):
    return _forward(feature, params, edge_index, batch)

if __name__ == "__main__":
    import jax
    _d = setup_inputs()
    print(jax.jit(kernel)(*tuple(_d.values())))

</pallas_src>

<mosaic_0001>
#map = affine_map<(d0, d1) -> (0, 0, 0)>
#map1 = affine_map<(d0, d1) -> (0, 0)>
module attributes {stable_mosaic.version = 14 : i64} {
  func.func @_sc_deg_body(%arg0: i32, %arg1: i32, %arg2: memref<32x112x128xi32, #tpu.memory_space<hbm>>, %arg3: memref<632x16xf32, #tpu.memory_space<hbm>>, %arg4: memref<2x10112x16xf32, #tpu.memory_space<hbm>>, %arg5: memref<112x128xi32, #tpu.memory_space<vmem>>, %arg6: memref<128x16xf32, #tpu.memory_space<vmem>>, %arg7: memref<10112x16xf32, #tpu.memory_space<vmem_shared>>, %arg8: memref<!tpu.dma_semaphore, #tpu.memory_space<semaphore_mem>>) attributes {dimension_semantics = [#tpu.dimension_semantics<core_parallel>, #tpu.dimension_semantics<subcore_parallel>], iteration_bounds = array<i64: 2, 16>, scalar_prefetch = 0 : i64, scratch_operands = 4 : i64, tpu.core_type = #tpu.core_type<sc_vector_subcore>, window_params = [{transform_indices = #map}, {transform_indices = #map1}, {transform_indices = #map}]} {
    %mul3A = arith.constant 16 : i32
    %mul3A_0 = arith.muli %arg0, %mul3A : i32
    %add3A = arith.addi %mul3A_0, %arg1 : i32
    %mul3A_1 = arith.constant 632 : i32
    %mul3A_2 = arith.muli %arg1, %mul3A_1 : i32
    "tpu.region"() ({
      %run_scoped3A = tpu.sem_alloc : memref<!tpu.dma_semaphore, #tpu.memory_space<semaphore_mem>>
      %dma_start3A = arith.constant 0 : i32
      %dma_start3A_26 = tpu.memref_slice %arg7[%mul3A_2, %dma_start3A] : memref<10112x16xf32, #tpu.memory_space<vmem_shared>> -> memref<632x16xf32, #tpu.memory_space<vmem_shared>>
      tpu.enqueue_dma source(%arg3 : memref<632x16xf32, #tpu.memory_space<hbm>>) target(%dma_start3A_26 : memref<632x16xf32, #tpu.memory_space<vmem_shared>>) target_semaphore(%run_scoped3A : memref<!tpu.dma_semaphore, #tpu.memory_space<semaphore_mem>>)
      %dma_wait3A = arith.constant 0 : i32
      %dma_wait3A_27 = tpu.memref_slice %arg7[%mul3A_2, %dma_wait3A] : memref<10112x16xf32, #tpu.memory_space<vmem_shared>> -> memref<632x16xf32, #tpu.memory_space<vmem_shared>>
      tpu.wait_dma2 semaphore(%run_scoped3A : memref<!tpu.dma_semaphore, #tpu.memory_space<semaphore_mem>>) src(%arg3 : memref<632x16xf32, #tpu.memory_space<hbm>>) dst(%dma_wait3A_27 : memref<632x16xf32, #tpu.memory_space<vmem_shared>>)
      tpu.yield
    }) : () -> ()
    "tpu.region"() ({
      %run_scoped3A = tpu.sem_alloc : memref<!tpu.dma_semaphore, #tpu.memory_space<semaphore_mem>>
      %dma_start3A = arith.constant 0 : i32
      %dma_start3A_26 = arith.constant 0 : i32
      %dma_start3A_27 = tpu.memref_slice %arg2[%add3A, %dma_start3A, %dma_start3A_26] : memref<32x112x128xi32, #tpu.memory_space<hbm>> -> memref<1x112x128xi32, #tpu.memory_space<hbm>>
      %dma_start3A_28 = tpu.memref_squeeze %dma_start3A_27 : memref<1x112x128xi32, #tpu.memory_space<hbm>> -> memref<112x128xi32, #tpu.memory_space<hbm>>
      %dma_start3A_29 = arith.constant 0 : i32
      %dma_start3A_30 = arith.constant 0 : i32
      %dma_start3A_31 = tpu.memref_slice %arg2[%add3A, %dma_start3A_29, %dma_start3A_30] : memref<32x112x128xi32, #tpu.memory_space<hbm>> -> memref<1x112x128xi32, #tpu.memory_space<hbm>>
      %dma_start3A_32 = tpu.memref_squeeze %dma_start3A_31 : memref<1x112x128xi32, #tpu.memory_space<hbm>> -> memref<112x128xi32, #tpu.memory_space<hbm>>
      tpu.enqueue_dma source(%dma_start3A_32 : memref<112x128xi32, #tpu.memory_space<hbm>>) target(%arg5 : memref<112x128xi32, #tpu.memory_space<vmem>>) target_semaphore(%run_scoped3A : memref<!tpu.dma_semaphore, #tpu.memory_space<semaphore_mem>>)
      %dma_wait3A = arith.constant 0 : i32
      %dma_wait3A_33 = arith.constant 0 : i32
      %dma_wait3A_34 = tpu.memref_slice %arg2[%add3A, %dma_wait3A, %dma_wait3A_33] : memref<32x112x128xi32, #tpu.memory_space<hbm>> -> memref<1x112x128xi32, #tpu.memory_space<hbm>>
      %dma_wait3A_35 = tpu.memref_squeeze %dma_wait3A_34 : memref<1x112x128xi32, #tpu.memory_space<hbm>> -> memref<112x128xi32, #tpu.memory_space<hbm>>
      %dma_wait3A_36 = arith.constant 0 : i32
      %dma_wait3A_37 = arith.constant 0 : i32
      %dma_wait3A_38 = tpu.memref_slice %arg2[%add3A, %dma_wait3A_36, %dma_wait3A_37] : memref<32x112x128xi32, #tpu.memory_space<hbm>> -> memref<1x112x128xi32, #tpu.memory_space<hbm>>
      %dma_wait3A_39 = tpu.memref_squeeze %dma_wait3A_38 : memref<1x112x128xi32, #tpu.memory_space<hbm>> -> memref<112x128xi32, #tpu.memory_space<hbm>>
      tpu.wait_dma2 semaphore(%run_scoped3A : memref<!tpu.dma_semaphore, #tpu.memory_space<semaphore_mem>>) src(%dma_wait3A_39 : memref<112x128xi32, #tpu.memory_space<hbm>>) dst(%arg5 : memref<112x128xi32, #tpu.memory_space<vmem>>)
      tpu.yield
    }) : () -> ()
    %scan3A = arith.constant 0 : i32
    %scan3A_3 = arith.constant 128 : i32
    %scan3A_4 = arith.addi %scan3A, %scan3A_3 : i32
    %scan3A_5 = arith.constant 1 : i32
    scf.for %scan3A_26 = %scan3A to %scan3A_4 step %scan3A_5  : i32 {
      %mul3A_27 = arith.constant 1 : i32
      %mul3A_28 = arith.muli %scan3A_26, %mul3A_27 : i32
      %add3A_29 = arith.constant 0 : i32
      %add3A_30 = arith.addi %add3A_29, %mul3A_28 : i32
      %broadcast_in_dim3A = arith.constant 1.000000e+00 : f32
      %broadcast_in_dim3A_31 = vector.broadcast %broadcast_in_dim3A : f32 to vector<16xf32>
      %swap3A = arith.index_cast %add3A_30 : i32 to index
      %swap3A_32 = arith.constant 0 : index
      %swap3A_33 = tpu.vector_load %arg6[%swap3A, %swap3A_32] {strides = array<i32>} : memref<128x16xf32, #tpu.memory_space<vmem>>, vector<1x16xf32>,
      %swap3A_34 = vector.shape_cast %swap3A_33 : vector<1x16xf32> to vector<16xf32>
      %swap3A_35 = vector.shape_cast %broadcast_in_dim3A_31 : vector<16xf32> to vector<1x16xf32>
      tpu.vector_store %arg6[%swap3A, %swap3A_32], %swap3A_35 {strides = array<i32>} : memref<128x16xf32, #tpu.memory_space<vmem>>, vector<1x16xf32>,
    }
    %scan3A_6 = arith.constant 128 : i32
    %barrier3A = arith.constant 0 : index
    tpu.barrier barrier_id(%barrier3A)
    %eq3A = arith.constant 0 : i32
    %eq3A_7 = arith.cmpi eq, %arg0, %eq3A : i32
    %jit3A = arith.constant 112 : i32
    %jit3A_8 = arith.constant 48 : i32
    %select_n3A = arith.select %eq3A_7, %jit3A, %jit3A_8 : i32
    %sub3A = arith.constant 0 : i32
    %sub3A_9 = arith.subi %select_n3A, %sub3A : i32
    %sub3A_10 = arith.constant 1 : i32
    %sub3A_11 = arith.constant 1 : i32
    %sub3A_12 = arith.subi %sub3A_10, %sub3A_11 : i32
    %add3A_13 = arith.addi %sub3A_9, %sub3A_12 : i32
    %div3A = arith.constant 1 : i32
    %div3A_14 = arith.divsi %add3A_13, %div3A : i32
    %while3A = arith.constant 1 : i32
    %while3A_15 = arith.constant 0 : i32
    %while3A_16 = arith.constant 0 : i32
    %while3A_17 = arith.subi %div3A_14, %while3A_16 : i32
    %while3A_18 = arith.addi %while3A_16, %while3A_17 : i32
    %while3A_19 = arith.constant 1 : i32
    %while3A_20 = arith.divsi %while3A_17, %while3A_19 : i32
    %while3A_21 = arith.muli %while3A_20, %while3A_19 : i32
    %while3A_22 = arith.addi %while3A_16, %while3A_21 : i32
    %while3A_23 = arith.constant 1 : i32
    scf.for %while3A_26 = %while3A_16 to %while3A_22 step %while3A_23  : i32 {
      %mul3A_27 = arith.muli %while3A_26, %while3A : i32
      %add3A_28 = arith.addi %while3A_15, %mul3A_27 : i32
      "tpu.region"() ({
        %run_scoped3A = tpu.sem_alloc : memref<!tpu.dma_semaphore, #tpu.memory_space<semaphore_mem>>
        %dma_start3A = arith.constant 0 : i32
        %dma_start3A_29 = tpu.memref_slice %arg5[%add3A_28, %dma_start3A] : memref<112x128xi32, #tpu.memory_space<vmem>> -> memref<1x128xi32, #tpu.memory_space<vmem>>
        %dma_start3A_30 = tpu.memref_squeeze %dma_start3A_29 : memref<1x128xi32, #tpu.memory_space<vmem>> -> memref<128xi32, #tpu.memory_space<vmem>>
        %dma_start3A_31 = arith.constant 0 : i32
        %dma_start3A_32 = arith.constant 0 : i32
        %dma_start3A_33 = tpu.memref_slice %arg7[%dma_start3A_31, %dma_start3A_32] : memref<10112x16xf32, #tpu.memory_space<vmem_shared>> -> memref<10112x16xf32, #tpu.memory_space<vmem_shared>>
        tpu.enqueue_indirect_dma source(%arg6 : memref<128x16xf32, #tpu.memory_space<vmem>>) target(%dma_start3A_33 : memref<10112x16xf32, #tpu.memory_space<vmem_shared>>) offsets(%dma_start3A_30 : memref<128xi32, #tpu.memory_space<vmem>>) semaphore(%run_scoped3A : memref<!tpu.dma_semaphore, #tpu.memory_space<semaphore_mem>>) {add = true}
        %dma_wait3A = arith.constant 0 : i32
        %dma_wait3A_34 = tpu.memref_slice %arg5[%add3A_28, %dma_wait3A] : memref<112x128xi32, #tpu.memory_space<vmem>> -> memref<1x128xi32, #tpu.memory_space<vmem>>
        %dma_wait3A_35 = tpu.memref_squeeze %dma_wait3A_34 : memref<1x128xi32, #tpu.memory_space<vmem>> -> memref<128xi32, #tpu.memory_space<vmem>>
        %dma_wait3A_36 = arith.constant 0 : i32
        %dma_wait3A_37 = arith.constant 0 : i32
        %dma_wait3A_38 = tpu.memref_slice %arg7[%dma_wait3A_36, %dma_wait3A_37] : memref<10112x16xf32, #tpu.memory_space<vmem_shared>> -> memref<10112x16xf32, #tpu.memory_space<vmem_shared>>
        tpu.wait_indirect_dma semaphore(%run_scoped3A : memref<!tpu.dma_semaphore, #tpu.memory_space<semaphore_mem>>) src(%arg6 : memref<128x16xf32, #tpu.memory_space<vmem>>) dst(%dma_wait3A_38 : memref<10112x16xf32, #tpu.memory_space<vmem_shared>>)
        tpu.yield
      }) : () -> ()
    }
    %while3A_24 = arith.constant 1 : i32
    scf.for %while3A_26 = %while3A_22 to %while3A_18 step %while3A_24  : i32 {
      %mul3A_27 = arith.muli %while3A_26, %while3A : i32
      %add3A_28 = arith.addi %while3A_15, %mul3A_27 : i32
      "tpu.region"() ({
        %run_scoped3A = tpu.sem_alloc : memref<!tpu.dma_semaphore, #tpu.memory_space<semaphore_mem>>
        %dma_start3A = arith.constant 0 : i32
        %dma_start3A_29 = tpu.memref_slice %arg5[%add3A_28, %dma_start3A] : memref<112x128xi32, #tpu.memory_space<vmem>> -> memref<1x128xi32, #tpu.memory_space<vmem>>
        %dma_start3A_30 = tpu.memref_squeeze %dma_start3A_29 : memref<1x128xi32, #tpu.memory_space<vmem>> -> memref<128xi32, #tpu.memory_space<vmem>>
        %dma_start3A_31 = arith.constant 0 : i32
        %dma_start3A_32 = arith.constant 0 : i32
        %dma_start3A_33 = tpu.memref_slice %arg7[%dma_start3A_31, %dma_start3A_32] : memref<10112x16xf32, #tpu.memory_space<vmem_shared>> -> memref<10112x16xf32, #tpu.memory_space<vmem_shared>>
        tpu.enqueue_indirect_dma source(%arg6 : memref<128x16xf32, #tpu.memory_space<vmem>>) target(%dma_start3A_33 : memref<10112x16xf32, #tpu.memory_space<vmem_shared>>) offsets(%dma_start3A_30 : memref<128xi32, #tpu.memory_space<vmem>>) semaphore(%run_scoped3A : memref<!tpu.dma_semaphore, #tpu.memory_space<semaphore_mem>>) {add = true}
        %dma_wait3A = arith.constant 0 : i32
        %dma_wait3A_34 = tpu.memref_slice %arg5[%add3A_28, %dma_wait3A] : memref<112x128xi32, #tpu.memory_space<vmem>> -> memref<1x128xi32, #tpu.memory_space<vmem>>
        %dma_wait3A_35 = tpu.memref_squeeze %dma_wait3A_34 : memref<1x128xi32, #tpu.memory_space<vmem>> -> memref<128xi32, #tpu.memory_space<vmem>>
        %dma_wait3A_36 = arith.constant 0 : i32
        %dma_wait3A_37 = arith.constant 0 : i32
        %dma_wait3A_38 = tpu.memref_slice %arg7[%dma_wait3A_36, %dma_wait3A_37] : memref<10112x16xf32, #tpu.memory_space<vmem_shared>> -> memref<10112x16xf32, #tpu.memory_space<vmem_shared>>
        tpu.wait_indirect_dma semaphore(%run_scoped3A : memref<!tpu.dma_semaphore, #tpu.memory_space<semaphore_mem>>) src(%arg6 : memref<128x16xf32, #tpu.memory_space<vmem>>) dst(%dma_wait3A_38 : memref<10112x16xf32, #tpu.memory_space<vmem_shared>>)
        tpu.yield
      }) : () -> ()
    }
    %barrier3A_25 = arith.constant 0 : index
    tpu.barrier barrier_id(%barrier3A_25)
    "tpu.region"() ({
      %run_scoped3A = tpu.sem_alloc : memref<!tpu.dma_semaphore, #tpu.memory_space<semaphore_mem>>
      %dma_start3A = arith.constant 0 : i32
      %dma_start3A_26 = tpu.memref_slice %arg4[%arg0, %mul3A_2, %dma_start3A] : memref<2x10112x16xf32, #tpu.memory_space<hbm>> -> memref<1x632x16xf32, #tpu.memory_space<hbm>>
      %dma_start3A_27 = tpu.memref_squeeze %dma_start3A_26 : memref<1x632x16xf32, #tpu.memory_space<hbm>> -> memref<632x16xf32, #tpu.memory_space<hbm>>
      %dma_start3A_28 = arith.constant 0 : i32
      %dma_start3A_29 = tpu.memref_slice %arg7[%mul3A_2, %dma_start3A_28] : memref<10112x16xf32, #tpu.memory_space<vmem_shared>> -> memref<632x16xf32, #tpu.memory_space<vmem_shared>>
      tpu.enqueue_dma source(%dma_start3A_29 : memref<632x16xf32, #tpu.memory_space<vmem_shared>>) target(%dma_start3A_27 : memref<632x16xf32, #tpu.memory_space<hbm>>) target_semaphore(%run_scoped3A : memref<!tpu.dma_semaphore, #tpu.memory_space<semaphore_mem>>)
      %dma_wait3A = arith.constant 0 : i32
      %dma_wait3A_30 = tpu.memref_slice %arg4[%arg0, %mul3A_2, %dma_wait3A] : memref<2x10112x16xf32, #tpu.memory_space<hbm>> -> memref<1x632x16xf32, #tpu.memory_space<hbm>>
      %dma_wait3A_31 = tpu.memref_squeeze %dma_wait3A_30 : memref<1x632x16xf32, #tpu.memory_space<hbm>> -> memref<632x16xf32, #tpu.memory_space<hbm>>
      %dma_wait3A_32 = arith.constant 0 : i32
      %dma_wait3A_33 = tpu.memref_slice %arg7[%mul3A_2, %dma_wait3A_32] : memref<10112x16xf32, #tpu.memory_space<vmem_shared>> -> memref<632x16xf32, #tpu.memory_space<vmem_shared>>
      tpu.wait_dma2 semaphore(%run_scoped3A : memref<!tpu.dma_semaphore, #tpu.memory_space<semaphore_mem>>) src(%dma_wait3A_33 : memref<632x16xf32, #tpu.memory_space<vmem_shared>>) dst(%dma_wait3A_31 : memref<632x16xf32, #tpu.memory_space<hbm>>)
      tpu.yield
    }) : () -> ()
    return
  }
}

#map = affine_map<(d0, d1) -> (0, 0)>
#map1 = affine_map<(d0, d1) -> (0, 0, 0)>
module attributes {stable_mosaic.version = 14 : i64} {
  func.func @_sc_edge_body(%arg0: i32, %arg1: i32, %arg2: memref<10000x128xf32, #tpu.memory_space<hbm>>, %arg3: memref<32x112x128xi32, #tpu.memory_space<hbm>>, %arg4: memref<32x112x128xi32, #tpu.memory_space<hbm>>, %arg5: memref<632x128xf32, #tpu.memory_space<hbm>>, %arg6: memref<2x10112x128xf32, #tpu.memory_space<hbm>>, %arg7: memref<112x128xi32, #tpu.memory_space<vmem>>, %arg8: memref<112x128xi32, #tpu.memory_space<vmem>>, %arg9: memref<128x128xf32, #tpu.memory_space<vmem>>, %arg10: memref<10112x128xf32, #tpu.memory_space<vmem_shared>>, %arg11: memref<!tpu.dma_semaphore, #tpu.memory_space<semaphore_mem>>) attributes {dimension_semantics = [#tpu.dimension_semantics<core_parallel>, #tpu.dimension_semantics<subcore_parallel>], iteration_bounds = array<i64: 2, 16>, scalar_prefetch = 0 : i64, scratch_operands = 5 : i64, tpu.core_type = #tpu.core_type<sc_vector_subcore>, window_params = [{transform_indices = #map}, {transform_indices = #map1}, {transform_indices = #map1}, {transform_indices = #map}, {transform_indices = #map1}]} {
    %mul3A = arith.constant 16 : i32
    %mul3A_0 = arith.muli %arg0, %mul3A : i32
    %add3A = arith.addi %mul3A_0, %arg1 : i32
    %mul3A_1 = arith.constant 632 : i32
    %mul3A_2 = arith.muli %arg1, %mul3A_1 : i32
    "tpu.region"() ({
      %run_scoped3A = tpu.sem_alloc : memref<!tpu.dma_semaphore, #tpu.memory_space<semaphore_mem>>
      %dma_start3A = arith.constant 0 : i32
      %dma_start3A_22 = tpu.memref_slice %arg10[%mul3A_2, %dma_start3A] : memref<10112x128xf32, #tpu.memory_space<vmem_shared>> -> memref<632x128xf32, #tpu.memory_space<vmem_shared>>
      tpu.enqueue_dma source(%arg5 : memref<632x128xf32, #tpu.memory_space<hbm>>) target(%dma_start3A_22 : memref<632x128xf32, #tpu.memory_space<vmem_shared>>) target_semaphore(%run_scoped3A : memref<!tpu.dma_semaphore, #tpu.memory_space<semaphore_mem>>)
      %dma_wait3A = arith.constant 0 : i32
      %dma_wait3A_23 = tpu.memref_slice %arg10[%mul3A_2, %dma_wait3A] : memref<10112x128xf32, #tpu.memory_space<vmem_shared>> -> memref<632x128xf32, #tpu.memory_space<vmem_shared>>
      tpu.wait_dma2 semaphore(%run_scoped3A : memref<!tpu.dma_semaphore, #tpu.memory_space<semaphore_mem>>) src(%arg5 : memref<632x128xf32, #tpu.memory_space<hbm>>) dst(%dma_wait3A_23 : memref<632x128xf32, #tpu.memory_space<vmem_shared>>)
      tpu.yield
    }) : () -> ()
    "tpu.region"() ({
      %run_scoped3A = tpu.sem_alloc : memref<!tpu.dma_semaphore, #tpu.memory_space<semaphore_mem>>
      %dma_start3A = arith.constant 0 : i32
      %dma_start3A_22 = arith.constant 0 : i32
      %dma_start3A_23 = tpu.memref_slice %arg3[%add3A, %dma_start3A, %dma_start3A_22] : memref<32x112x128xi32, #tpu.memory_space<hbm>> -> memref<1x112x128xi32, #tpu.memory_space<hbm>>
      %dma_start3A_24 = tpu.memref_squeeze %dma_start3A_23 : memref<1x112x128xi32, #tpu.memory_space<hbm>> -> memref<112x128xi32, #tpu.memory_space<hbm>>
      %dma_start3A_25 = arith.constant 0 : i32
      %dma_start3A_26 = arith.constant 0 : i32
      %dma_start3A_27 = tpu.memref_slice %arg3[%add3A, %dma_start3A_25, %dma_start3A_26] : memref<32x112x128xi32, #tpu.memory_space<hbm>> -> memref<1x112x128xi32, #tpu.memory_space<hbm>>
      %dma_start3A_28 = tpu.memref_squeeze %dma_start3A_27 : memref<1x112x128xi32, #tpu.memory_space<hbm>> -> memref<112x128xi32, #tpu.memory_space<hbm>>
      tpu.enqueue_dma source(%dma_start3A_28 : memref<112x128xi32, #tpu.memory_space<hbm>>) target(%arg7 : memref<112x128xi32, #tpu.memory_space<vmem>>) target_semaphore(%run_scoped3A : memref<!tpu.dma_semaphore, #tpu.memory_space<semaphore_mem>>)
      %dma_wait3A = arith.constant 0 : i32
      %dma_wait3A_29 = arith.constant 0 : i32
      %dma_wait3A_30 = tpu.memref_slice %arg3[%add3A, %dma_wait3A, %dma_wait3A_29] : memref<32x112x128xi32, #tpu.memory_space<hbm>> -> memref<1x112x128xi32, #tpu.memory_space<hbm>>
      %dma_wait3A_31 = tpu.memref_squeeze %dma_wait3A_30 : memref<1x112x128xi32, #tpu.memory_space<hbm>> -> memref<112x128xi32, #tpu.memory_space<hbm>>
      %dma_wait3A_32 = arith.constant 0 : i32
      %dma_wait3A_33 = arith.constant 0 : i32
      %dma_wait3A_34 = tpu.memref_slice %arg3[%add3A, %dma_wait3A_32, %dma_wait3A_33] : memref<32x112x128xi32, #tpu.memory_space<hbm>> -> memref<1x112x128xi32, #tpu.memory_space<hbm>>
      %dma_wait3A_35 = tpu.memref_squeeze %dma_wait3A_34 : memref<1x112x128xi32, #tpu.memory_space<hbm>> -> memref<112x128xi32, #tpu.memory_space<hbm>>
      tpu.wait_dma2 semaphore(%run_scoped3A : memref<!tpu.dma_semaphore, #tpu.memory_space<semaphore_mem>>) src(%dma_wait3A_35 : memref<112x128xi32, #tpu.memory_space<hbm>>) dst(%arg7 : memref<112x128xi32, #tpu.memory_space<vmem>>)
      tpu.yield
    }) : () -> ()
    "tpu.region"() ({
      %run_scoped3A = tpu.sem_alloc : memref<!tpu.dma_semaphore, #tpu.memory_space<semaphore_mem>>
      %dma_start3A = arith.constant 0 : i32
      %dma_start3A_22 = arith.constant 0 : i32
      %dma_start3A_23 = tpu.memref_slice %arg4[%add3A, %dma_start3A, %dma_start3A_22] : memref<32x112x128xi32, #tpu.memory_space<hbm>> -> memref<1x112x128xi32, #tpu.memory_space<hbm>>
      %dma_start3A_24 = tpu.memref_squeeze %dma_start3A_23 : memref<1x112x128xi32, #tpu.memory_space<hbm>> -> memref<112x128xi32, #tpu.memory_space<hbm>>
      %dma_start3A_25 = arith.constant 0 : i32
      %dma_start3A_26 = arith.constant 0 : i32
      %dma_start3A_27 = tpu.memref_slice %arg4[%add3A, %dma_start3A_25, %dma_start3A_26] : memref<32x112x128xi32, #tpu.memory_space<hbm>> -> memref<1x112x128xi32, #tpu.memory_space<hbm>>
      %dma_start3A_28 = tpu.memref_squeeze %dma_start3A_27 : memref<1x112x128xi32, #tpu.memory_space<hbm>> -> memref<112x128xi32, #tpu.memory_space<hbm>>
      tpu.enqueue_dma source(%dma_start3A_28 : memref<112x128xi32, #tpu.memory_space<hbm>>) target(%arg8 : memref<112x128xi32, #tpu.memory_space<vmem>>) target_semaphore(%run_scoped3A : memref<!tpu.dma_semaphore, #tpu.memory_space<semaphore_mem>>)
      %dma_wait3A = arith.constant 0 : i32
      %dma_wait3A_29 = arith.constant 0 : i32
      %dma_wait3A_30 = tpu.memref_slice %arg4[%add3A, %dma_wait3A, %dma_wait3A_29] : memref<32x112x128xi32, #tpu.memory_space<hbm>> -> memref<1x112x128xi32, #tpu.memory_space<hbm>>
      %dma_wait3A_31 = tpu.memref_squeeze %dma_wait3A_30 : memref<1x112x128xi32, #tpu.memory_space<hbm>> -> memref<112x128xi32, #tpu.memory_space<hbm>>
      %dma_wait3A_32 = arith.constant 0 : i32
      %dma_wait3A_33 = arith.constant 0 : i32
      %dma_wait3A_34 = tpu.memref_slice %arg4[%add3A, %dma_wait3A_32, %dma_wait3A_33] : memref<32x112x128xi32, #tpu.memory_space<hbm>> -> memref<1x112x128xi32, #tpu.memory_space<hbm>>
      %dma_wait3A_35 = tpu.memref_squeeze %dma_wait3A_34 : memref<1x112x128xi32, #tpu.memory_space<hbm>> -> memref<112x128xi32, #tpu.memory_space<hbm>>
      tpu.wait_dma2 semaphore(%run_scoped3A : memref<!tpu.dma_semaphore, #tpu.memory_space<semaphore_mem>>) src(%dma_wait3A_35 : memref<112x128xi32, #tpu.memory_space<hbm>>) dst(%arg8 : memref<112x128xi32, #tpu.memory_space<vmem>>)
      tpu.yield
    }) : () -> ()
    %barrier3A = arith.constant 0 : index
    tpu.barrier barrier_id(%barrier3A)
    %eq3A = arith.constant 0 : i32
    %eq3A_3 = arith.cmpi eq, %arg0, %eq3A : i32
    %jit3A = arith.constant 112 : i32
    %jit3A_4 = arith.constant 48 : i32
    %select_n3A = arith.select %eq3A_3, %jit3A, %jit3A_4 : i32
    %sub3A = arith.constant 0 : i32
    %sub3A_5 = arith.subi %select_n3A, %sub3A : i32
    %sub3A_6 = arith.constant 1 : i32
    %sub3A_7 = arith.constant 1 : i32
    %sub3A_8 = arith.subi %sub3A_6, %sub3A_7 : i32
    %add3A_9 = arith.addi %sub3A_5, %sub3A_8 : i32
    %div3A = arith.constant 1 : i32
    %div3A_10 = arith.divsi %add3A_9, %div3A : i32
    %while3A = arith.constant 1 : i32
    %while3A_11 = arith.constant 0 : i32
    %while3A_12 = arith.constant 0 : i32
    %while3A_13 = arith.subi %div3A_10, %while3A_12 : i32
    %while3A_14 = arith.addi %while3A_12, %while3A_13 : i32
    %while3A_15 = arith.constant 1 : i32
    %while3A_16 = arith.divsi %while3A_13, %while3A_15 : i32
    %while3A_17 = arith.muli %while3A_16, %while3A_15 : i32
    %while3A_18 = arith.addi %while3A_12, %while3A_17 : i32
    %while3A_19 = arith.constant 1 : i32
    scf.for %while3A_22 = %while3A_12 to %while3A_18 step %while3A_19  : i32 {
      %mul3A_23 = arith.muli %while3A_22, %while3A : i32
      %add3A_24 = arith.addi %while3A_11, %mul3A_23 : i32
      %dma_start3A = arith.constant 0 : i32
      %dma_start3A_25 = tpu.memref_slice %arg7[%add3A_24, %dma_start3A] : memref<112x128xi32, #tpu.memory_space<vmem>> -> memref<1x128xi32, #tpu.memory_space<vmem>>
      %dma_start3A_26 = tpu.memref_squeeze %dma_start3A_25 : memref<1x128xi32, #tpu.memory_space<vmem>> -> memref<128xi32, #tpu.memory_space<vmem>>
      %dma_start3A_27 = arith.constant 0 : i32
      %dma_start3A_28 = arith.constant 0 : i32
      %dma_start3A_29 = tpu.memref_slice %arg2[%dma_start3A_27, %dma_start3A_28] : memref<10000x128xf32, #tpu.memory_space<hbm>> -> memref<10000x128xf32, #tpu.memory_space<hbm>>
      tpu.enqueue_indirect_dma source(%dma_start3A_29 : memref<10000x128xf32, #tpu.memory_space<hbm>>) target(%arg9 : memref<128x128xf32, #tpu.memory_space<vmem>>) offsets(%dma_start3A_26 : memref<128xi32, #tpu.memory_space<vmem>>) semaphore(%arg11 : memref<!tpu.dma_semaphore, #tpu.memory_space<semaphore_mem>>)
      %dma_wait3A = arith.constant 0 : i32
      %dma_wait3A_30 = tpu.memref_slice %arg7[%add3A_24, %dma_wait3A] : memref<112x128xi32, #tpu.memory_space<vmem>> -> memref<1x128xi32, #tpu.memory_space<vmem>>
      %dma_wait3A_31 = tpu.memref_squeeze %dma_wait3A_30 : memref<1x128xi32, #tpu.memory_space<vmem>> -> memref<128xi32, #tpu.memory_space<vmem>>
      %dma_wait3A_32 = arith.constant 0 : i32
      %dma_wait3A_33 = arith.constant 0 : i32
      %dma_wait3A_34 = tpu.memref_slice %arg2[%dma_wait3A_32, %dma_wait3A_33] : memref<10000x128xf32, #tpu.memory_space<hbm>> -> memref<10000x128xf32, #tpu.memory_space<hbm>>
      tpu.wait_indirect_dma semaphore(%arg11 : memref<!tpu.dma_semaphore, #tpu.memory_space<semaphore_mem>>) src(%dma_wait3A_34 : memref<10000x128xf32, #tpu.memory_space<hbm>>) dst(%arg9 : memref<128x128xf32, #tpu.memory_space<vmem>>)
      "tpu.region"() ({
        %run_scoped3A = tpu.sem_alloc : memref<!tpu.dma_semaphore, #tpu.memory_space<semaphore_mem>>
        %dma_start3A_35 = arith.constant 0 : i32
        %dma_start3A_36 = tpu.memref_slice %arg8[%add3A_24, %dma_start3A_35] : memref<112x128xi32, #tpu.memory_space<vmem>> -> memref<1x128xi32, #tpu.memory_space<vmem>>
        %dma_start3A_37 = tpu.memref_squeeze %dma_start3A_36 : memref<1x128xi32, #tpu.memory_space<vmem>> -> memref<128xi32, #tpu.memory_space<vmem>>
        %dma_start3A_38 = arith.constant 0 : i32
        %dma_start3A_39 = arith.constant 0 : i32
        %dma_start3A_40 = tpu.memref_slice %arg10[%dma_start3A_38, %dma_start3A_39] : memref<10112x128xf32, #tpu.memory_space<vmem_shared>> -> memref<10112x128xf32, #tpu.memory_space<vmem_shared>>
        tpu.enqueue_indirect_dma source(%arg9 : memref<128x128xf32, #tpu.memory_space<vmem>>) target(%dma_start3A_40 : memref<10112x128xf32, #tpu.memory_space<vmem_shared>>) offsets(%dma_start3A_37 : memref<128xi32, #tpu.memory_space<vmem>>) semaphore(%run_scoped3A : memref<!tpu.dma_semaphore, #tpu.memory_space<semaphore_mem>>) {add = true}
        %dma_wait3A_41 = arith.constant 0 : i32
        %dma_wait3A_42 = tpu.memref_slice %arg8[%add3A_24, %dma_wait3A_41] : memref<112x128xi32, #tpu.memory_space<vmem>> -> memref<1x128xi32, #tpu.memory_space<vmem>>
        %dma_wait3A_43 = tpu.memref_squeeze %dma_wait3A_42 : memref<1x128xi32, #tpu.memory_space<vmem>> -> memref<128xi32, #tpu.memory_space<vmem>>
        %dma_wait3A_44 = arith.constant 0 : i32
        %dma_wait3A_45 = arith.constant 0 : i32
        %dma_wait3A_46 = tpu.memref_slice %arg10[%dma_wait3A_44, %dma_wait3A_45] : memref<10112x128xf32, #tpu.memory_space<vmem_shared>> -> memref<10112x128xf32, #tpu.memory_space<vmem_shared>>
        tpu.wait_indirect_dma semaphore(%run_scoped3A : memref<!tpu.dma_semaphore, #tpu.memory_space<semaphore_mem>>) src(%arg9 : memref<128x128xf32, #tpu.memory_space<vmem>>) dst(%dma_wait3A_46 : memref<10112x128xf32, #tpu.memory_space<vmem_shared>>)
        tpu.yield
      }) : () -> ()
    }
    %while3A_20 = arith.constant 1 : i32
    scf.for %while3A_22 = %while3A_18 to %while3A_14 step %while3A_20  : i32 {
      %mul3A_23 = arith.muli %while3A_22, %while3A : i32
      %add3A_24 = arith.addi %while3A_11, %mul3A_23 : i32
      %dma_start3A = arith.constant 0 : i32
      %dma_start3A_25 = tpu.memref_slice %arg7[%add3A_24, %dma_start3A] : memref<112x128xi32, #tpu.memory_space<vmem>> -> memref<1x128xi32, #tpu.memory_space<vmem>>
      %dma_start3A_26 = tpu.memref_squeeze %dma_start3A_25 : memref<1x128xi32, #tpu.memory_space<vmem>> -> memref<128xi32, #tpu.memory_space<vmem>>
      %dma_start3A_27 = arith.constant 0 : i32
      %dma_start3A_28 = arith.constant 0 : i32
      %dma_start3A_29 = tpu.memref_slice %arg2[%dma_start3A_27, %dma_start3A_28] : memref<10000x128xf32, #tpu.memory_space<hbm>> -> memref<10000x128xf32, #tpu.memory_space<hbm>>
      tpu.enqueue_indirect_dma source(%dma_start3A_29 : memref<10000x128xf32, #tpu.memory_space<hbm>>) target(%arg9 : memref<128x128xf32, #tpu.memory_space<vmem>>) offsets(%dma_start3A_26 : memref<128xi32, #tpu.memory_space<vmem>>) semaphore(%arg11 : memref<!tpu.dma_semaphore, #tpu.memory_space<semaphore_mem>>)
      %dma_wait3A = arith.constant 0 : i32
      %dma_wait3A_30 = tpu.memref_slice %arg7[%add3A_24, %dma_wait3A] : memref<112x128xi32, #tpu.memory_space<vmem>> -> memref<1x128xi32, #tpu.memory_space<vmem>>
      %dma_wait3A_31 = tpu.memref_squeeze %dma_wait3A_30 : memref<1x128xi32, #tpu.memory_space<vmem>> -> memref<128xi32, #tpu.memory_space<vmem>>
      %dma_wait3A_32 = arith.constant 0 : i32
      %dma_wait3A_33 = arith.constant 0 : i32
      %dma_wait3A_34 = tpu.memref_slice %arg2[%dma_wait3A_32, %dma_wait3A_33] : memref<10000x128xf32, #tpu.memory_space<hbm>> -> memref<10000x128xf32, #tpu.memory_space<hbm>>
      tpu.wait_indirect_dma semaphore(%arg11 : memref<!tpu.dma_semaphore, #tpu.memory_space<semaphore_mem>>) src(%dma_wait3A_34 : memref<10000x128xf32, #tpu.memory_space<hbm>>) dst(%arg9 : memref<128x128xf32, #tpu.memory_space<vmem>>)
      "tpu.region"() ({
        %run_scoped3A = tpu.sem_alloc : memref<!tpu.dma_semaphore, #tpu.memory_space<semaphore_mem>>
        %dma_start3A_35 = arith.constant 0 : i32
        %dma_start3A_36 = tpu.memref_slice %arg8[%add3A_24, %dma_start3A_35] : memref<112x128xi32, #tpu.memory_space<vmem>> -> memref<1x128xi32, #tpu.memory_space<vmem>>
        %dma_start3A_37 = tpu.memref_squeeze %dma_start3A_36 : memref<1x128xi32, #tpu.memory_space<vmem>> -> memref<128xi32, #tpu.memory_space<vmem>>
        %dma_start3A_38 = arith.constant 0 : i32
        %dma_start3A_39 = arith.constant 0 : i32
        %dma_start3A_40 = tpu.memref_slice %arg10[%dma_start3A_38, %dma_start3A_39] : memref<10112x128xf32, #tpu.memory_space<vmem_shared>> -> memref<10112x128xf32, #tpu.memory_space<vmem_shared>>
        tpu.enqueue_indirect_dma source(%arg9 : memref<128x128xf32, #tpu.memory_space<vmem>>) target(%dma_start3A_40 : memref<10112x128xf32, #tpu.memory_space<vmem_shared>>) offsets(%dma_start3A_37 : memref<128xi32, #tpu.memory_space<vmem>>) semaphore(%run_scoped3A : memref<!tpu.dma_semaphore, #tpu.memory_space<semaphore_mem>>) {add = true}
        %dma_wait3A_41 = arith.constant 0 : i32
        %dma_wait3A_42 = tpu.memref_slice %arg8[%add3A_24, %dma_wait3A_41] : memref<112x128xi32, #tpu.memory_space<vmem>> -> memref<1x128xi32, #tpu.memory_space<vmem>>
        %dma_wait3A_43 = tpu.memref_squeeze %dma_wait3A_42 : memref<1x128xi32, #tpu.memory_space<vmem>> -> memref<128xi32, #tpu.memory_space<vmem>>
        %dma_wait3A_44 = arith.constant 0 : i32
        %dma_wait3A_45 = arith.constant 0 : i32
        %dma_wait3A_46 = tpu.memref_slice %arg10[%dma_wait3A_44, %dma_wait3A_45] : memref<10112x128xf32, #tpu.memory_space<vmem_shared>> -> memref<10112x128xf32, #tpu.memory_space<vmem_shared>>
        tpu.wait_indirect_dma semaphore(%run_scoped3A : memref<!tpu.dma_semaphore, #tpu.memory_space<semaphore_mem>>) src(%arg9 : memref<128x128xf32, #tpu.memory_space<vmem>>) dst(%dma_wait3A_46 : memref<10112x128xf32, #tpu.memory_space<vmem_shared>>)
        tpu.yield
      }) : () -> ()
    }
    %barrier3A_21 = arith.constant 0 : index
    tpu.barrier barrier_id(%barrier3A_21)
    "tpu.region"() ({
      %run_scoped3A = tpu.sem_alloc : memref<!tpu.dma_semaphore, #tpu.memory_space<semaphore_mem>>
      %dma_start3A = arith.constant 0 : i32
      %dma_start3A_22 = tpu.memref_slice %arg6[%arg0, %mul3A_2, %dma_start3A] : memref<2x10112x128xf32, #tpu.memory_space<hbm>> -> memref<1x632x128xf32, #tpu.memory_space<hbm>>
      %dma_start3A_23 = tpu.memref_squeeze %dma_start3A_22 : memref<1x632x128xf32, #tpu.memory_space<hbm>> -> memref<632x128xf32, #tpu.memory_space<hbm>>
      %dma_start3A_24 = arith.constant 0 : i32
      %dma_start3A_25 = tpu.memref_slice %arg10[%mul3A_2, %dma_start3A_24] : memref<10112x128xf32, #tpu.memory_space<vmem_shared>> -> memref<632x128xf32, #tpu.memory_space<vmem_shared>>
      tpu.enqueue_dma source(%dma_start3A_25 : memref<632x128xf32, #tpu.memory_space<vmem_shared>>) target(%dma_start3A_23 : memref<632x128xf32, #tpu.memory_space<hbm>>) target_semaphore(%run_scoped3A : memref<!tpu.dma_semaphore, #tpu.memory_space<semaphore_mem>>)
      %dma_wait3A = arith.constant 0 : i32
      %dma_wait3A_26 = tpu.memref_slice %arg6[%arg0, %mul3A_2, %dma_wait3A] : memref<2x10112x128xf32, #tpu.memory_space<hbm>> -> memref<1x632x128xf32, #tpu.memory_space<hbm>>
      %dma_wait3A_27 = tpu.memref_squeeze %dma_wait3A_26 : memref<1x632x128xf32, #tpu.memory_space<hbm>> -> memref<632x128xf32, #tpu.memory_space<hbm>>
      %dma_wait3A_28 = arith.constant 0 : i32
      %dma_wait3A_29 = tpu.memref_slice %arg10[%mul3A_2, %dma_wait3A_28] : memref<10112x128xf32, #tpu.memory_space<vmem_shared>> -> memref<632x128xf32, #tpu.memory_space<vmem_shared>>
      tpu.wait_dma2 semaphore(%run_scoped3A : memref<!tpu.dma_semaphore, #tpu.memory_space<semaphore_mem>>) src(%dma_wait3A_29 : memref<632x128xf32, #tpu.memory_space<vmem_shared>>) dst(%dma_wait3A_27 : memref<632x128xf32, #tpu.memory_space<hbm>>)
      tpu.yield
    }) : () -> ()
    return
  }
}

#map = affine_map<(d0, d1) -> (0, 0)>
#map1 = affine_map<(d0, d1) -> (0, 0, 0)>
module attributes {stable_mosaic.version = 14 : i64} {
  func.func @_sc_edge_body(%arg0: i32, %arg1: i32, %arg2: memref<10000x128xf32, #tpu.memory_space<hbm>>, %arg3: memref<32x112x128xi32, #tpu.memory_space<hbm>>, %arg4: memref<32x112x128xi32, #tpu.memory_space<hbm>>, %arg5: memref<632x128xf32, #tpu.memory_space<hbm>>, %arg6: memref<2x10112x128xf32, #tpu.memory_space<hbm>>, %arg7: memref<112x128xi32, #tpu.memory_space<vmem>>, %arg8: memref<112x128xi32, #tpu.memory_space<vmem>>, %arg9: memref<128x128xf32, #tpu.memory_space<vmem>>, %arg10: memref<10112x128xf32, #tpu.memory_space<vmem_shared>>, %arg11: memref<!tpu.dma_semaphore, #tpu.memory_space<semaphore_mem>>) attributes {dimension_semantics = [#tpu.dimension_semantics<core_parallel>, #tpu.dimension_semantics<subcore_parallel>], iteration_bounds = array<i64: 2, 16>, scalar_prefetch = 0 : i64, scratch_operands = 5 : i64, tpu.core_type = #tpu.core_type<sc_vector_subcore>, window_params = [{transform_indices = #map}, {transform_indices = #map1}, {transform_indices = #map1}, {transform_indices = #map}, {transform_indices = #map1}]} {
    %mul3A = arith.constant 16 : i32
    %mul3A_0 = arith.muli %arg0, %mul3A : i32
    %add3A = arith.addi %mul3A_0, %arg1 : i32
    %mul3A_1 = arith.constant 632 : i32
    %mul3A_2 = arith.muli %arg1, %mul3A_1 : i32
    "tpu.region"() ({
      %run_scoped3A = tpu.sem_alloc : memref<!tpu.dma_semaphore, #tpu.memory_space<semaphore_mem>>
      %dma_start3A = arith.constant 0 : i32
      %dma_start3A_22 = tpu.memref_slice %arg10[%mul3A_2, %dma_start3A] : memref<10112x128xf32, #tpu.memory_space<vmem_shared>> -> memref<632x128xf32, #tpu.memory_space<vmem_shared>>
      tpu.enqueue_dma source(%arg5 : memref<632x128xf32, #tpu.memory_space<hbm>>) target(%dma_start3A_22 : memref<632x128xf32, #tpu.memory_space<vmem_shared>>) target_semaphore(%run_scoped3A : memref<!tpu.dma_semaphore, #tpu.memory_space<semaphore_mem>>)
      %dma_wait3A = arith.constant 0 : i32
      %dma_wait3A_23 = tpu.memref_slice %arg10[%mul3A_2, %dma_wait3A] : memref<10112x128xf32, #tpu.memory_space<vmem_shared>> -> memref<632x128xf32, #tpu.memory_space<vmem_shared>>
      tpu.wait_dma2 semaphore(%run_scoped3A : memref<!tpu.dma_semaphore, #tpu.memory_space<semaphore_mem>>) src(%arg5 : memref<632x128xf32, #tpu.memory_space<hbm>>) dst(%dma_wait3A_23 : memref<632x128xf32, #tpu.memory_space<vmem_shared>>)
      tpu.yield
    }) : () -> ()
    "tpu.region"() ({
      %run_scoped3A = tpu.sem_alloc : memref<!tpu.dma_semaphore, #tpu.memory_space<semaphore_mem>>
      %dma_start3A = arith.constant 0 : i32
      %dma_start3A_22 = arith.constant 0 : i32
      %dma_start3A_23 = tpu.memref_slice %arg3[%add3A, %dma_start3A, %dma_start3A_22] : memref<32x112x128xi32, #tpu.memory_space<hbm>> -> memref<1x112x128xi32, #tpu.memory_space<hbm>>
      %dma_start3A_24 = tpu.memref_squeeze %dma_start3A_23 : memref<1x112x128xi32, #tpu.memory_space<hbm>> -> memref<112x128xi32, #tpu.memory_space<hbm>>
      %dma_start3A_25 = arith.constant 0 : i32
      %dma_start3A_26 = arith.constant 0 : i32
      %dma_start3A_27 = tpu.memref_slice %arg3[%add3A, %dma_start3A_25, %dma_start3A_26] : memref<32x112x128xi32, #tpu.memory_space<hbm>> -> memref<1x112x128xi32, #tpu.memory_space<hbm>>
      %dma_start3A_28 = tpu.memref_squeeze %dma_start3A_27 : memref<1x112x128xi32, #tpu.memory_space<hbm>> -> memref<112x128xi32, #tpu.memory_space<hbm>>
      tpu.enqueue_dma source(%dma_start3A_28 : memref<112x128xi32, #tpu.memory_space<hbm>>) target(%arg7 : memref<112x128xi32, #tpu.memory_space<vmem>>) target_semaphore(%run_scoped3A : memref<!tpu.dma_semaphore, #tpu.memory_space<semaphore_mem>>)
      %dma_wait3A = arith.constant 0 : i32
      %dma_wait3A_29 = arith.constant 0 : i32
      %dma_wait3A_30 = tpu.memref_slice %arg3[%add3A, %dma_wait3A, %dma_wait3A_29] : memref<32x112x128xi32, #tpu.memory_space<hbm>> -> memref<1x112x128xi32, #tpu.memory_space<hbm>>
      %dma_wait3A_31 = tpu.memref_squeeze %dma_wait3A_30 : memref<1x112x128xi32, #tpu.memory_space<hbm>> -> memref<112x128xi32, #tpu.memory_space<hbm>>
      %dma_wait3A_32 = arith.constant 0 : i32
      %dma_wait3A_33 = arith.constant 0 : i32
      %dma_wait3A_34 = tpu.memref_slice %arg3[%add3A, %dma_wait3A_32, %dma_wait3A_33] : memref<32x112x128xi32, #tpu.memory_space<hbm>> -> memref<1x112x128xi32, #tpu.memory_space<hbm>>
      %dma_wait3A_35 = tpu.memref_squeeze %dma_wait3A_34 : memref<1x112x128xi32, #tpu.memory_space<hbm>> -> memref<112x128xi32, #tpu.memory_space<hbm>>
      tpu.wait_dma2 semaphore(%run_scoped3A : memref<!tpu.dma_semaphore, #tpu.memory_space<semaphore_mem>>) src(%dma_wait3A_35 : memref<112x128xi32, #tpu.memory_space<hbm>>) dst(%arg7 : memref<112x128xi32, #tpu.memory_space<vmem>>)
      tpu.yield
    }) : () -> ()
    "tpu.region"() ({
      %run_scoped3A = tpu.sem_alloc : memref<!tpu.dma_semaphore, #tpu.memory_space<semaphore_mem>>
      %dma_start3A = arith.constant 0 : i32
      %dma_start3A_22 = arith.constant 0 : i32
      %dma_start3A_23 = tpu.memref_slice %arg4[%add3A, %dma_start3A, %dma_start3A_22] : memref<32x112x128xi32, #tpu.memory_space<hbm>> -> memref<1x112x128xi32, #tpu.memory_space<hbm>>
      %dma_start3A_24 = tpu.memref_squeeze %dma_start3A_23 : memref<1x112x128xi32, #tpu.memory_space<hbm>> -> memref<112x128xi32, #tpu.memory_space<hbm>>
      %dma_start3A_25 = arith.constant 0 : i32
      %dma_start3A_26 = arith.constant 0 : i32
      %dma_start3A_27 = tpu.memref_slice %arg4[%add3A, %dma_start3A_25, %dma_start3A_26] : memref<32x112x128xi32, #tpu.memory_space<hbm>> -> memref<1x112x128xi32, #tpu.memory_space<hbm>>
      %dma_start3A_28 = tpu.memref_squeeze %dma_start3A_27 : memref<1x112x128xi32, #tpu.memory_space<hbm>> -> memref<112x128xi32, #tpu.memory_space<hbm>>
      tpu.enqueue_dma source(%dma_start3A_28 : memref<112x128xi32, #tpu.memory_space<hbm>>) target(%arg8 : memref<112x128xi32, #tpu.memory_space<vmem>>) target_semaphore(%run_scoped3A : memref<!tpu.dma_semaphore, #tpu.memory_space<semaphore_mem>>)
      %dma_wait3A = arith.constant 0 : i32
      %dma_wait3A_29 = arith.constant 0 : i32
      %dma_wait3A_30 = tpu.memref_slice %arg4[%add3A, %dma_wait3A, %dma_wait3A_29] : memref<32x112x128xi32, #tpu.memory_space<hbm>> -> memref<1x112x128xi32, #tpu.memory_space<hbm>>
      %dma_wait3A_31 = tpu.memref_squeeze %dma_wait3A_30 : memref<1x112x128xi32, #tpu.memory_space<hbm>> -> memref<112x128xi32, #tpu.memory_space<hbm>>
      %dma_wait3A_32 = arith.constant 0 : i32
      %dma_wait3A_33 = arith.constant 0 : i32
      %dma_wait3A_34 = tpu.memref_slice %arg4[%add3A, %dma_wait3A_32, %dma_wait3A_33] : memref<32x112x128xi32, #tpu.memory_space<hbm>> -> memref<1x112x128xi32, #tpu.memory_space<hbm>>
      %dma_wait3A_35 = tpu.memref_squeeze %dma_wait3A_34 : memref<1x112x128xi32, #tpu.memory_space<hbm>> -> memref<112x128xi32, #tpu.memory_space<hbm>>
      tpu.wait_dma2 semaphore(%run_scoped3A : memref<!tpu.dma_semaphore, #tpu.memory_space<semaphore_mem>>) src(%dma_wait3A_35 : memref<112x128xi32, #tpu.memory_space<hbm>>) dst(%arg8 : memref<112x128xi32, #tpu.memory_space<vmem>>)
      tpu.yield
    }) : () -> ()
    %barrier3A = arith.constant 0 : index
    tpu.barrier barrier_id(%barrier3A)
    %eq3A = arith.constant 0 : i32
    %eq3A_3 = arith.cmpi eq, %arg0, %eq3A : i32
    %jit3A = arith.constant 112 : i32
    %jit3A_4 = arith.constant 48 : i32
    %select_n3A = arith.select %eq3A_3, %jit3A, %jit3A_4 : i32
    %sub3A = arith.constant 0 : i32
    %sub3A_5 = arith.subi %select_n3A, %sub3A : i32
    %sub3A_6 = arith.constant 1 : i32
    %sub3A_7 = arith.constant 1 : i32
    %sub3A_8 = arith.subi %sub3A_6, %sub3A_7 : i32
    %add3A_9 = arith.addi %sub3A_5, %sub3A_8 : i32
    %div3A = arith.constant 1 : i32
    %div3A_10 = arith.divsi %add3A_9, %div3A : i32
    %while3A = arith.constant 1 : i32
    %while3A_11 = arith.constant 0 : i32
    %while3A_12 = arith.constant 0 : i32
    %while3A_13 = arith.subi %div3A_10, %while3A_12 : i32
    %while3A_14 = arith.addi %while3A_12, %while3A_13 : i32
    %while3A_15 = arith.constant 1 : i32
    %while3A_16 = arith.divsi %while3A_13, %while3A_15 : i32
    %while3A_17 = arith.muli %while3A_16, %while3A_15 : i32
    %while3A_18 = arith.addi %while3A_12, %while3A_17 : i32
    %while3A_19 = arith.constant 1 : i32
    scf.for %while3A_22 = %while3A_12 to %while3A_18 step %while3A_19  : i32 {
      %mul3A_23 = arith.muli %while3A_22, %while3A : i32
      %add3A_24 = arith.addi %while3A_11, %mul3A_23 : i32
      %dma_start3A = arith.constant 0 : i32
      %dma_start3A_25 = tpu.memref_slice %arg7[%add3A_24, %dma_start3A] : memref<112x128xi32, #tpu.memory_space<vmem>> -> memref<1x128xi32, #tpu.memory_space<vmem>>
      %dma_start3A_26 = tpu.memref_squeeze %dma_start3A_25 : memref<1x128xi32, #tpu.memory_space<vmem>> -> memref<128xi32, #tpu.memory_space<vmem>>
      %dma_start3A_27 = arith.constant 0 : i32
      %dma_start3A_28 = arith.constant 0 : i32
      %dma_start3A_29 = tpu.memref_slice %arg2[%dma_start3A_27, %dma_start3A_28] : memref<10000x128xf32, #tpu.memory_space<hbm>> -> memref<10000x128xf32, #tpu.memory_space<hbm>>
      tpu.enqueue_indirect_dma source(%dma_start3A_29 : memref<10000x128xf32, #tpu.memory_space<hbm>>) target(%arg9 : memref<128x128xf32, #tpu.memory_space<vmem>>) offsets(%dma_start3A_26 : memref<128xi32, #tpu.memory_space<vmem>>) semaphore(%arg11 : memref<!tpu.dma_semaphore, #tpu.memory_space<semaphore_mem>>)
      %dma_wait3A = arith.constant 0 : i32
      %dma_wait3A_30 = tpu.memref_slice %arg7[%add3A_24, %dma_wait3A] : memref<112x128xi32, #tpu.memory_space<vmem>> -> memref<1x128xi32, #tpu.memory_space<vmem>>
      %dma_wait3A_31 = tpu.memref_squeeze %dma_wait3A_30 : memref<1x128xi32, #tpu.memory_space<vmem>> -> memref<128xi32, #tpu.memory_space<vmem>>
      %dma_wait3A_32 = arith.constant 0 : i32
      %dma_wait3A_33 = arith.constant 0 : i32
      %dma_wait3A_34 = tpu.memref_slice %arg2[%dma_wait3A_32, %dma_wait3A_33] : memref<10000x128xf32, #tpu.memory_space<hbm>> -> memref<10000x128xf32, #tpu.memory_space<hbm>>
      tpu.wait_indirect_dma semaphore(%arg11 : memref<!tpu.dma_semaphore, #tpu.memory_space<semaphore_mem>>) src(%dma_wait3A_34 : memref<10000x128xf32, #tpu.memory_space<hbm>>) dst(%arg9 : memref<128x128xf32, #tpu.memory_space<vmem>>)
      "tpu.region"() ({
        %run_scoped3A = tpu.sem_alloc : memref<!tpu.dma_semaphore, #tpu.memory_space<semaphore_mem>>
        %dma_start3A_35 = arith.constant 0 : i32
        %dma_start3A_36 = tpu.memref_slice %arg8[%add3A_24, %dma_start3A_35] : memref<112x128xi32, #tpu.memory_space<vmem>> -> memref<1x128xi32, #tpu.memory_space<vmem>>
        %dma_start3A_37 = tpu.memref_squeeze %dma_start3A_36 : memref<1x128xi32, #tpu.memory_space<vmem>> -> memref<128xi32, #tpu.memory_space<vmem>>
        %dma_start3A_38 = arith.constant 0 : i32
        %dma_start3A_39 = arith.constant 0 : i32
        %dma_start3A_40 = tpu.memref_slice %arg10[%dma_start3A_38, %dma_start3A_39] : memref<10112x128xf32, #tpu.memory_space<vmem_shared>> -> memref<10112x128xf32, #tpu.memory_space<vmem_shared>>
        tpu.enqueue_indirect_dma source(%arg9 : memref<128x128xf32, #tpu.memory_space<vmem>>) target(%dma_start3A_40 : memref<10112x128xf32, #tpu.memory_space<vmem_shared>>) offsets(%dma_start3A_37 : memref<128xi32, #tpu.memory_space<vmem>>) semaphore(%run_scoped3A : memref<!tpu.dma_semaphore, #tpu.memory_space<semaphore_mem>>) {add = true}
        %dma_wait3A_41 = arith.constant 0 : i32
        %dma_wait3A_42 = tpu.memref_slice %arg8[%add3A_24, %dma_wait3A_41] : memref<112x128xi32, #tpu.memory_space<vmem>> -> memref<1x128xi32, #tpu.memory_space<vmem>>
        %dma_wait3A_43 = tpu.memref_squeeze %dma_wait3A_42 : memref<1x128xi32, #tpu.memory_space<vmem>> -> memref<128xi32, #tpu.memory_space<vmem>>
        %dma_wait3A_44 = arith.constant 0 : i32
        %dma_wait3A_45 = arith.constant 0 : i32
        %dma_wait3A_46 = tpu.memref_slice %arg10[%dma_wait3A_44, %dma_wait3A_45] : memref<10112x128xf32, #tpu.memory_space<vmem_shared>> -> memref<10112x128xf32, #tpu.memory_space<vmem_shared>>
        tpu.wait_indirect_dma semaphore(%run_scoped3A : memref<!tpu.dma_semaphore, #tpu.memory_space<semaphore_mem>>) src(%arg9 : memref<128x128xf32, #tpu.memory_space<vmem>>) dst(%dma_wait3A_46 : memref<10112x128xf32, #tpu.memory_space<vmem_shared>>)
        tpu.yield
      }) : () -> ()
    }
    %while3A_20 = arith.constant 1 : i32
    scf.for %while3A_22 = %while3A_18 to %while3A_14 step %while3A_20  : i32 {
      %mul3A_23 = arith.muli %while3A_22, %while3A : i32
      %add3A_24 = arith.addi %while3A_11, %mul3A_23 : i32
      %dma_start3A = arith.constant 0 : i32
      %dma_start3A_25 = tpu.memref_slice %arg7[%add3A_24, %dma_start3A] : memref<112x128xi32, #tpu.memory_space<vmem>> -> memref<1x128xi32, #tpu.memory_space<vmem>>
      %dma_start3A_26 = tpu.memref_squeeze %dma_start3A_25 : memref<1x128xi32, #tpu.memory_space<vmem>> -> memref<128xi32, #tpu.memory_space<vmem>>
      %dma_start3A_27 = arith.constant 0 : i32
      %dma_start3A_28 = arith.constant 0 : i32
      %dma_start3A_29 = tpu.memref_slice %arg2[%dma_start3A_27, %dma_start3A_28] : memref<10000x128xf32, #tpu.memory_space<hbm>> -> memref<10000x128xf32, #tpu.memory_space<hbm>>
      tpu.enqueue_indirect_dma source(%dma_start3A_29 : memref<10000x128xf32, #tpu.memory_space<hbm>>) target(%arg9 : memref<128x128xf32, #tpu.memory_space<vmem>>) offsets(%dma_start3A_26 : memref<128xi32, #tpu.memory_space<vmem>>) semaphore(%arg11 : memref<!tpu.dma_semaphore, #tpu.memory_space<semaphore_mem>>)
      %dma_wait3A = arith.constant 0 : i32
      %dma_wait3A_30 = tpu.memref_slice %arg7[%add3A_24, %dma_wait3A] : memref<112x128xi32, #tpu.memory_space<vmem>> -> memref<1x128xi32, #tpu.memory_space<vmem>>
      %dma_wait3A_31 = tpu.memref_squeeze %dma_wait3A_30 : memref<1x128xi32, #tpu.memory_space<vmem>> -> memref<128xi32, #tpu.memory_space<vmem>>
      %dma_wait3A_32 = arith.constant 0 : i32
      %dma_wait3A_33 = arith.constant 0 : i32
      %dma_wait3A_34 = tpu.memref_slice %arg2[%dma_wait3A_32, %dma_wait3A_33] : memref<10000x128xf32, #tpu.memory_space<hbm>> -> memref<10000x128xf32, #tpu.memory_space<hbm>>
      tpu.wait_indirect_dma semaphore(%arg11 : memref<!tpu.dma_semaphore, #tpu.memory_space<semaphore_mem>>) src(%dma_wait3A_34 : memref<10000x128xf32, #tpu.memory_space<hbm>>) dst(%arg9 : memref<128x128xf32, #tpu.memory_space<vmem>>)
      "tpu.region"() ({
        %run_scoped3A = tpu.sem_alloc : memref<!tpu.dma_semaphore, #tpu.memory_space<semaphore_mem>>
        %dma_start3A_35 = arith.constant 0 : i32
        %dma_start3A_36 = tpu.memref_slice %arg8[%add3A_24, %dma_start3A_35] : memref<112x128xi32, #tpu.memory_space<vmem>> -> memref<1x128xi32, #tpu.memory_space<vmem>>
        %dma_start3A_37 = tpu.memref_squeeze %dma_start3A_36 : memref<1x128xi32, #tpu.memory_space<vmem>> -> memref<128xi32, #tpu.memory_space<vmem>>
        %dma_start3A_38 = arith.constant 0 : i32
        %dma_start3A_39 = arith.constant 0 : i32
        %dma_start3A_40 = tpu.memref_slice %arg10[%dma_start3A_38, %dma_start3A_39] : memref<10112x128xf32, #tpu.memory_space<vmem_shared>> -> memref<10112x128xf32, #tpu.memory_space<vmem_shared>>
        tpu.enqueue_indirect_dma source(%arg9 : memref<128x128xf32, #tpu.memory_space<vmem>>) target(%dma_start3A_40 : memref<10112x128xf32, #tpu.memory_space<vmem_shared>>) offsets(%dma_start3A_37 : memref<128xi32, #tpu.memory_space<vmem>>) semaphore(%run_scoped3A : memref<!tpu.dma_semaphore, #tpu.memory_space<semaphore_mem>>) {add = true}
        %dma_wait3A_41 = arith.constant 0 : i32
        %dma_wait3A_42 = tpu.memref_slice %arg8[%add3A_24, %dma_wait3A_41] : memref<112x128xi32, #tpu.memory_space<vmem>> -> memref<1x128xi32, #tpu.memory_space<vmem>>
        %dma_wait3A_43 = tpu.memref_squeeze %dma_wait3A_42 : memref<1x128xi32, #tpu.memory_space<vmem>> -> memref<128xi32, #tpu.memory_space<vmem>>
        %dma_wait3A_44 = arith.constant 0 : i32
        %dma_wait3A_45 = arith.constant 0 : i32
        %dma_wait3A_46 = tpu.memref_slice %arg10[%dma_wait3A_44, %dma_wait3A_45] : memref<10112x128xf32, #tpu.memory_space<vmem_shared>> -> memref<10112x128xf32, #tpu.memory_space<vmem_shared>>
        tpu.wait_indirect_dma semaphore(%run_scoped3A : memref<!tpu.dma_semaphore, #tpu.memory_space<semaphore_mem>>) src(%arg9 : memref<128x128xf32, #tpu.memory_space<vmem>>) dst(%dma_wait3A_46 : memref<10112x128xf32, #tpu.memory_space<vmem_shared>>)
        tpu.yield
      }) : () -> ()
    }
    %barrier3A_21 = arith.constant 0 : index
    tpu.barrier barrier_id(%barrier3A_21)
    "tpu.region"() ({
      %run_scoped3A = tpu.sem_alloc : memref<!tpu.dma_semaphore, #tpu.memory_space<semaphore_mem>>
      %dma_start3A = arith.constant 0 : i32
      %dma_start3A_22 = tpu.memref_slice %arg6[%arg0, %mul3A_2, %dma_start3A] : memref<2x10112x128xf32, #tpu.memory_space<hbm>> -> memref<1x632x128xf32, #tpu.memory_space<hbm>>
      %dma_start3A_23 = tpu.memref_squeeze %dma_start3A_22 : memref<1x632x128xf32, #tpu.memory_space<hbm>> -> memref<632x128xf32, #tpu.memory_space<hbm>>
      %dma_start3A_24 = arith.constant 0 : i32
      %dma_start3A_25 = tpu.memref_slice %arg10[%mul3A_2, %dma_start3A_24] : memref<10112x128xf32, #tpu.memory_space<vmem_shared>> -> memref<632x128xf32, #tpu.memory_space<vmem_shared>>
      tpu.enqueue_dma source(%dma_start3A_25 : memref<632x128xf32, #tpu.memory_space<vmem_shared>>) target(%dma_start3A_23 : memref<632x128xf32, #tpu.memory_space<hbm>>) target_semaphore(%run_scoped3A : memref<!tpu.dma_semaphore, #tpu.memory_space<semaphore_mem>>)
      %dma_wait3A = arith.constant 0 : i32
      %dma_wait3A_26 = tpu.memref_slice %arg6[%arg0, %mul3A_2, %dma_wait3A] : memref<2x10112x128xf32, #tpu.memory_space<hbm>> -> memref<1x632x128xf32, #tpu.memory_space<hbm>>
      %dma_wait3A_27 = tpu.memref_squeeze %dma_wait3A_26 : memref<1x632x128xf32, #tpu.memory_space<hbm>> -> memref<632x128xf32, #tpu.memory_space<hbm>>
      %dma_wait3A_28 = arith.constant 0 : i32
      %dma_wait3A_29 = tpu.memref_slice %arg10[%mul3A_2, %dma_wait3A_28] : memref<10112x128xf32, #tpu.memory_space<vmem_shared>> -> memref<632x128xf32, #tpu.memory_space<vmem_shared>>
      tpu.wait_dma2 semaphore(%run_scoped3A : memref<!tpu.dma_semaphore, #tpu.memory_space<semaphore_mem>>) src(%dma_wait3A_29 : memref<632x128xf32, #tpu.memory_space<vmem_shared>>) dst(%dma_wait3A_27 : memref<632x128xf32, #tpu.memory_space<hbm>>)
      tpu.yield
    }) : () -> ()
    return
  }
}

#map = affine_map<(d0, d1) -> (0, 0)>
#map1 = affine_map<(d0, d1) -> (0, 0, 0)>
module attributes {stable_mosaic.version = 14 : i64} {
  func.func @_sc_edge_body(%arg0: i32, %arg1: i32, %arg2: memref<10000x128xf32, #tpu.memory_space<hbm>>, %arg3: memref<32x112x128xi32, #tpu.memory_space<hbm>>, %arg4: memref<32x112x128xi32, #tpu.memory_space<hbm>>, %arg5: memref<632x128xf32, #tpu.memory_space<hbm>>, %arg6: memref<2x10112x128xf32, #tpu.memory_space<hbm>>, %arg7: memref<112x128xi32, #tpu.memory_space<vmem>>, %arg8: memref<112x128xi32, #tpu.memory_space<vmem>>, %arg9: memref<128x128xf32, #tpu.memory_space<vmem>>, %arg10: memref<10112x128xf32, #tpu.memory_space<vmem_shared>>, %arg11: memref<!tpu.dma_semaphore, #tpu.memory_space<semaphore_mem>>) attributes {dimension_semantics = [#tpu.dimension_semantics<core_parallel>, #tpu.dimension_semantics<subcore_parallel>], iteration_bounds = array<i64: 2, 16>, scalar_prefetch = 0 : i64, scratch_operands = 5 : i64, tpu.core_type = #tpu.core_type<sc_vector_subcore>, window_params = [{transform_indices = #map}, {transform_indices = #map1}, {transform_indices = #map1}, {transform_indices = #map}, {transform_indices = #map1}]} {
    %mul3A = arith.constant 16 : i32
    %mul3A_0 = arith.muli %arg0, %mul3A : i32
    %add3A = arith.addi %mul3A_0, %arg1 : i32
    %mul3A_1 = arith.constant 632 : i32
    %mul3A_2 = arith.muli %arg1, %mul3A_1 : i32
    "tpu.region"() ({
      %run_scoped3A = tpu.sem_alloc : memref<!tpu.dma_semaphore, #tpu.memory_space<semaphore_mem>>
      %dma_start3A = arith.constant 0 : i32
      %dma_start3A_22 = tpu.memref_slice %arg10[%mul3A_2, %dma_start3A] : memref<10112x128xf32, #tpu.memory_space<vmem_shared>> -> memref<632x128xf32, #tpu.memory_space<vmem_shared>>
      tpu.enqueue_dma source(%arg5 : memref<632x128xf32, #tpu.memory_space<hbm>>) target(%dma_start3A_22 : memref<632x128xf32, #tpu.memory_space<vmem_shared>>) target_semaphore(%run_scoped3A : memref<!tpu.dma_semaphore, #tpu.memory_space<semaphore_mem>>)
      %dma_wait3A = arith.constant 0 : i32
      %dma_wait3A_23 = tpu.memref_slice %arg10[%mul3A_2, %dma_wait3A] : memref<10112x128xf32, #tpu.memory_space<vmem_shared>> -> memref<632x128xf32, #tpu.memory_space<vmem_shared>>
      tpu.wait_dma2 semaphore(%run_scoped3A : memref<!tpu.dma_semaphore, #tpu.memory_space<semaphore_mem>>) src(%arg5 : memref<632x128xf32, #tpu.memory_space<hbm>>) dst(%dma_wait3A_23 : memref<632x128xf32, #tpu.memory_space<vmem_shared>>)
      tpu.yield
    }) : () -> ()
    "tpu.region"() ({
      %run_scoped3A = tpu.sem_alloc : memref<!tpu.dma_semaphore, #tpu.memory_space<semaphore_mem>>
      %dma_start3A = arith.constant 0 : i32
      %dma_start3A_22 = arith.constant 0 : i32
      %dma_start3A_23 = tpu.memref_slice %arg3[%add3A, %dma_start3A, %dma_start3A_22] : memref<32x112x128xi32, #tpu.memory_space<hbm>> -> memref<1x112x128xi32, #tpu.memory_space<hbm>>
      %dma_start3A_24 = tpu.memref_squeeze %dma_start3A_23 : memref<1x112x128xi32, #tpu.memory_space<hbm>> -> memref<112x128xi32, #tpu.memory_space<hbm>>
      %dma_start3A_25 = arith.constant 0 : i32
      %dma_start3A_26 = arith.constant 0 : i32
      %dma_start3A_27 = tpu.memref_slice %arg3[%add3A, %dma_start3A_25, %dma_start3A_26] : memref<32x112x128xi32, #tpu.memory_space<hbm>> -> memref<1x112x128xi32, #tpu.memory_space<hbm>>
      %dma_start3A_28 = tpu.memref_squeeze %dma_start3A_27 : memref<1x112x128xi32, #tpu.memory_space<hbm>> -> memref<112x128xi32, #tpu.memory_space<hbm>>
      tpu.enqueue_dma source(%dma_start3A_28 : memref<112x128xi32, #tpu.memory_space<hbm>>) target(%arg7 : memref<112x128xi32, #tpu.memory_space<vmem>>) target_semaphore(%run_scoped3A : memref<!tpu.dma_semaphore, #tpu.memory_space<semaphore_mem>>)
      %dma_wait3A = arith.constant 0 : i32
      %dma_wait3A_29 = arith.constant 0 : i32
      %dma_wait3A_30 = tpu.memref_slice %arg3[%add3A, %dma_wait3A, %dma_wait3A_29] : memref<32x112x128xi32, #tpu.memory_space<hbm>> -> memref<1x112x128xi32, #tpu.memory_space<hbm>>
      %dma_wait3A_31 = tpu.memref_squeeze %dma_wait3A_30 : memref<1x112x128xi32, #tpu.memory_space<hbm>> -> memref<112x128xi32, #tpu.memory_space<hbm>>
      %dma_wait3A_32 = arith.constant 0 : i32
      %dma_wait3A_33 = arith.constant 0 : i32
      %dma_wait3A_34 = tpu.memref_slice %arg3[%add3A, %dma_wait3A_32, %dma_wait3A_33] : memref<32x112x128xi32, #tpu.memory_space<hbm>> -> memref<1x112x128xi32, #tpu.memory_space<hbm>>
      %dma_wait3A_35 = tpu.memref_squeeze %dma_wait3A_34 : memref<1x112x128xi32, #tpu.memory_space<hbm>> -> memref<112x128xi32, #tpu.memory_space<hbm>>
      tpu.wait_dma2 semaphore(%run_scoped3A : memref<!tpu.dma_semaphore, #tpu.memory_space<semaphore_mem>>) src(%dma_wait3A_35 : memref<112x128xi32, #tpu.memory_space<hbm>>) dst(%arg7 : memref<112x128xi32, #tpu.memory_space<vmem>>)
      tpu.yield
    }) : () -> ()
    "tpu.region"() ({
      %run_scoped3A = tpu.sem_alloc : memref<!tpu.dma_semaphore, #tpu.memory_space<semaphore_mem>>
      %dma_start3A = arith.constant 0 : i32
      %dma_start3A_22 = arith.constant 0 : i32
      %dma_start3A_23 = tpu.memref_slice %arg4[%add3A, %dma_start3A, %dma_start3A_22] : memref<32x112x128xi32, #tpu.memory_space<hbm>> -> memref<1x112x128xi32, #tpu.memory_space<hbm>>
      %dma_start3A_24 = tpu.memref_squeeze %dma_start3A_23 : memref<1x112x128xi32, #tpu.memory_space<hbm>> -> memref<112x128xi32, #tpu.memory_space<hbm>>
      %dma_start3A_25 = arith.constant 0 : i32
      %dma_start3A_26 = arith.constant 0 : i32
      %dma_start3A_27 = tpu.memref_slice %arg4[%add3A, %dma_start3A_25, %dma_start3A_26] : memref<32x112x128xi32, #tpu.memory_space<hbm>> -> memref<1x112x128xi32, #tpu.memory_space<hbm>>
      %dma_start3A_28 = tpu.memref_squeeze %dma_start3A_27 : memref<1x112x128xi32, #tpu.memory_space<hbm>> -> memref<112x128xi32, #tpu.memory_space<hbm>>
      tpu.enqueue_dma source(%dma_start3A_28 : memref<112x128xi32, #tpu.memory_space<hbm>>) target(%arg8 : memref<112x128xi32, #tpu.memory_space<vmem>>) target_semaphore(%run_scoped3A : memref<!tpu.dma_semaphore, #tpu.memory_space<semaphore_mem>>)
      %dma_wait3A = arith.constant 0 : i32
      %dma_wait3A_29 = arith.constant 0 : i32
      %dma_wait3A_30 = tpu.memref_slice %arg4[%add3A, %dma_wait3A, %dma_wait3A_29] : memref<32x112x128xi32, #tpu.memory_space<hbm>> -> memref<1x112x128xi32, #tpu.memory_space<hbm>>
      %dma_wait3A_31 = tpu.memref_squeeze %dma_wait3A_30 : memref<1x112x128xi32, #tpu.memory_space<hbm>> -> memref<112x128xi32, #tpu.memory_space<hbm>>
      %dma_wait3A_32 = arith.constant 0 : i32
      %dma_wait3A_33 = arith.constant 0 : i32
      %dma_wait3A_34 = tpu.memref_slice %arg4[%add3A, %dma_wait3A_32, %dma_wait3A_33] : memref<32x112x128xi32, #tpu.memory_space<hbm>> -> memref<1x112x128xi32, #tpu.memory_space<hbm>>
      %dma_wait3A_35 = tpu.memref_squeeze %dma_wait3A_34 : memref<1x112x128xi32, #tpu.memory_space<hbm>> -> memref<112x128xi32, #tpu.memory_space<hbm>>
      tpu.wait_dma2 semaphore(%run_scoped3A : memref<!tpu.dma_semaphore, #tpu.memory_space<semaphore_mem>>) src(%dma_wait3A_35 : memref<112x128xi32, #tpu.memory_space<hbm>>) dst(%arg8 : memref<112x128xi32, #tpu.memory_space<vmem>>)
      tpu.yield
    }) : () -> ()
    %barrier3A = arith.constant 0 : index
    tpu.barrier barrier_id(%barrier3A)
    %eq3A = arith.constant 0 : i32
    %eq3A_3 = arith.cmpi eq, %arg0, %eq3A : i32
    %jit3A = arith.constant 112 : i32
    %jit3A_4 = arith.constant 48 : i32
    %select_n3A = arith.select %eq3A_3, %jit3A, %jit3A_4 : i32
    %sub3A = arith.constant 0 : i32
    %sub3A_5 = arith.subi %select_n3A, %sub3A : i32
    %sub3A_6 = arith.constant 1 : i32
    %sub3A_7 = arith.constant 1 : i32
    %sub3A_8 = arith.subi %sub3A_6, %sub3A_7 : i32
    %add3A_9 = arith.addi %sub3A_5, %sub3A_8 : i32
    %div3A = arith.constant 1 : i32
    %div3A_10 = arith.divsi %add3A_9, %div3A : i32
    %while3A = arith.constant 1 : i32
    %while3A_11 = arith.constant 0 : i32
    %while3A_12 = arith.constant 0 : i32
    %while3A_13 = arith.subi %div3A_10, %while3A_12 : i32
    %while3A_14 = arith.addi %while3A_12, %while3A_13 : i32
    %while3A_15 = arith.constant 1 : i32
    %while3A_16 = arith.divsi %while3A_13, %while3A_15 : i32
    %while3A_17 = arith.muli %while3A_16, %while3A_15 : i32
    %while3A_18 = arith.addi %while3A_12, %while3A_17 : i32
    %while3A_19 = arith.constant 1 : i32
    scf.for %while3A_22 = %while3A_12 to %while3A_18 step %while3A_19  : i32 {
      %mul3A_23 = arith.muli %while3A_22, %while3A : i32
      %add3A_24 = arith.addi %while3A_11, %mul3A_23 : i32
      %dma_start3A = arith.constant 0 : i32
      %dma_start3A_25 = tpu.memref_slice %arg7[%add3A_24, %dma_start3A] : memref<112x128xi32, #tpu.memory_space<vmem>> -> memref<1x128xi32, #tpu.memory_space<vmem>>
      %dma_start3A_26 = tpu.memref_squeeze %dma_start3A_25 : memref<1x128xi32, #tpu.memory_space<vmem>> -> memref<128xi32, #tpu.memory_space<vmem>>
      %dma_start3A_27 = arith.constant 0 : i32
      %dma_start3A_28 = arith.constant 0 : i32
      %dma_start3A_29 = tpu.memref_slice %arg2[%dma_start3A_27, %dma_start3A_28] : memref<10000x128xf32, #tpu.memory_space<hbm>> -> memref<10000x128xf32, #tpu.memory_space<hbm>>
      tpu.enqueue_indirect_dma source(%dma_start3A_29 : memref<10000x128xf32, #tpu.memory_space<hbm>>) target(%arg9 : memref<128x128xf32, #tpu.memory_space<vmem>>) offsets(%dma_start3A_26 : memref<128xi32, #tpu.memory_space<vmem>>) semaphore(%arg11 : memref<!tpu.dma_semaphore, #tpu.memory_space<semaphore_mem>>)
      %dma_wait3A = arith.constant 0 : i32
      %dma_wait3A_30 = tpu.memref_slice %arg7[%add3A_24, %dma_wait3A] : memref<112x128xi32, #tpu.memory_space<vmem>> -> memref<1x128xi32, #tpu.memory_space<vmem>>
      %dma_wait3A_31 = tpu.memref_squeeze %dma_wait3A_30 : memref<1x128xi32, #tpu.memory_space<vmem>> -> memref<128xi32, #tpu.memory_space<vmem>>
      %dma_wait3A_32 = arith.constant 0 : i32
      %dma_wait3A_33 = arith.constant 0 : i32
      %dma_wait3A_34 = tpu.memref_slice %arg2[%dma_wait3A_32, %dma_wait3A_33] : memref<10000x128xf32, #tpu.memory_space<hbm>> -> memref<10000x128xf32, #tpu.memory_space<hbm>>
      tpu.wait_indirect_dma semaphore(%arg11 : memref<!tpu.dma_semaphore, #tpu.memory_space<semaphore_mem>>) src(%dma_wait3A_34 : memref<10000x128xf32, #tpu.memory_space<hbm>>) dst(%arg9 : memref<128x128xf32, #tpu.memory_space<vmem>>)
      "tpu.region"() ({
        %run_scoped3A = tpu.sem_alloc : memref<!tpu.dma_semaphore, #tpu.memory_space<semaphore_mem>>
        %dma_start3A_35 = arith.constant 0 : i32
        %dma_start3A_36 = tpu.memref_slice %arg8[%add3A_24, %dma_start3A_35] : memref<112x128xi32, #tpu.memory_space<vmem>> -> memref<1x128xi32, #tpu.memory_space<vmem>>
        %dma_start3A_37 = tpu.memref_squeeze %dma_start3A_36 : memref<1x128xi32, #tpu.memory_space<vmem>> -> memref<128xi32, #tpu.memory_space<vmem>>
        %dma_start3A_38 = arith.constant 0 : i32
        %dma_start3A_39 = arith.constant 0 : i32
        %dma_start3A_40 = tpu.memref_slice %arg10[%dma_start3A_38, %dma_start3A_39] : memref<10112x128xf32, #tpu.memory_space<vmem_shared>> -> memref<10112x128xf32, #tpu.memory_space<vmem_shared>>
        tpu.enqueue_indirect_dma source(%arg9 : memref<128x128xf32, #tpu.memory_space<vmem>>) target(%dma_start3A_40 : memref<10112x128xf32, #tpu.memory_space<vmem_shared>>) offsets(%dma_start3A_37 : memref<128xi32, #tpu.memory_space<vmem>>) semaphore(%run_scoped3A : memref<!tpu.dma_semaphore, #tpu.memory_space<semaphore_mem>>) {add = true}
        %dma_wait3A_41 = arith.constant 0 : i32
        %dma_wait3A_42 = tpu.memref_slice %arg8[%add3A_24, %dma_wait3A_41] : memref<112x128xi32, #tpu.memory_space<vmem>> -> memref<1x128xi32, #tpu.memory_space<vmem>>
        %dma_wait3A_43 = tpu.memref_squeeze %dma_wait3A_42 : memref<1x128xi32, #tpu.memory_space<vmem>> -> memref<128xi32, #tpu.memory_space<vmem>>
        %dma_wait3A_44 = arith.constant 0 : i32
        %dma_wait3A_45 = arith.constant 0 : i32
        %dma_wait3A_46 = tpu.memref_slice %arg10[%dma_wait3A_44, %dma_wait3A_45] : memref<10112x128xf32, #tpu.memory_space<vmem_shared>> -> memref<10112x128xf32, #tpu.memory_space<vmem_shared>>
        tpu.wait_indirect_dma semaphore(%run_scoped3A : memref<!tpu.dma_semaphore, #tpu.memory_space<semaphore_mem>>) src(%arg9 : memref<128x128xf32, #tpu.memory_space<vmem>>) dst(%dma_wait3A_46 : memref<10112x128xf32, #tpu.memory_space<vmem_shared>>)
        tpu.yield
      }) : () -> ()
    }
    %while3A_20 = arith.constant 1 : i32
    scf.for %while3A_22 = %while3A_18 to %while3A_14 step %while3A_20  : i32 {
      %mul3A_23 = arith.muli %while3A_22, %while3A : i32
      %add3A_24 = arith.addi %while3A_11, %mul3A_23 : i32
      %dma_start3A = arith.constant 0 : i32
      %dma_start3A_25 = tpu.memref_slice %arg7[%add3A_24, %dma_start3A] : memref<112x128xi32, #tpu.memory_space<vmem>> -> memref<1x128xi32, #tpu.memory_space<vmem>>
      %dma_start3A_26 = tpu.memref_squeeze %dma_start3A_25 : memref<1x128xi32, #tpu.memory_space<vmem>> -> memref<128xi32, #tpu.memory_space<vmem>>
      %dma_start3A_27 = arith.constant 0 : i32
      %dma_start3A_28 = arith.constant 0 : i32
      %dma_start3A_29 = tpu.memref_slice %arg2[%dma_start3A_27, %dma_start3A_28] : memref<10000x128xf32, #tpu.memory_space<hbm>> -> memref<10000x128xf32, #tpu.memory_space<hbm>>
      tpu.enqueue_indirect_dma source(%dma_start3A_29 : memref<10000x128xf32, #tpu.memory_space<hbm>>) target(%arg9 : memref<128x128xf32, #tpu.memory_space<vmem>>) offsets(%dma_start3A_26 : memref<128xi32, #tpu.memory_space<vmem>>) semaphore(%arg11 : memref<!tpu.dma_semaphore, #tpu.memory_space<semaphore_mem>>)
      %dma_wait3A = arith.constant 0 : i32
      %dma_wait3A_30 = tpu.memref_slice %arg7[%add3A_24, %dma_wait3A] : memref<112x128xi32, #tpu.memory_space<vmem>> -> memref<1x128xi32, #tpu.memory_space<vmem>>
      %dma_wait3A_31 = tpu.memref_squeeze %dma_wait3A_30 : memref<1x128xi32, #tpu.memory_space<vmem>> -> memref<128xi32, #tpu.memory_space<vmem>>
      %dma_wait3A_32 = arith.constant 0 : i32
      %dma_wait3A_33 = arith.constant 0 : i32
      %dma_wait3A_34 = tpu.memref_slice %arg2[%dma_wait3A_32, %dma_wait3A_33] : memref<10000x128xf32, #tpu.memory_space<hbm>> -> memref<10000x128xf32, #tpu.memory_space<hbm>>
      tpu.wait_indirect_dma semaphore(%arg11 : memref<!tpu.dma_semaphore, #tpu.memory_space<semaphore_mem>>) src(%dma_wait3A_34 : memref<10000x128xf32, #tpu.memory_space<hbm>>) dst(%arg9 : memref<128x128xf32, #tpu.memory_space<vmem>>)
      "tpu.region"() ({
        %run_scoped3A = tpu.sem_alloc : memref<!tpu.dma_semaphore, #tpu.memory_space<semaphore_mem>>
        %dma_start3A_35 = arith.constant 0 : i32
        %dma_start3A_36 = tpu.memref_slice %arg8[%add3A_24, %dma_start3A_35] : memref<112x128xi32, #tpu.memory_space<vmem>> -> memref<1x128xi32, #tpu.memory_space<vmem>>
        %dma_start3A_37 = tpu.memref_squeeze %dma_start3A_36 : memref<1x128xi32, #tpu.memory_space<vmem>> -> memref<128xi32, #tpu.memory_space<vmem>>
        %dma_start3A_38 = arith.constant 0 : i32
        %dma_start3A_39 = arith.constant 0 : i32
        %dma_start3A_40 = tpu.memref_slice %arg10[%dma_start3A_38, %dma_start3A_39] : memref<10112x128xf32, #tpu.memory_space<vmem_shared>> -> memref<10112x128xf32, #tpu.memory_space<vmem_shared>>
        tpu.enqueue_indirect_dma source(%arg9 : memref<128x128xf32, #tpu.memory_space<vmem>>) target(%dma_start3A_40 : memref<10112x128xf32, #tpu.memory_space<vmem_shared>>) offsets(%dma_start3A_37 : memref<128xi32, #tpu.memory_space<vmem>>) semaphore(%run_scoped3A : memref<!tpu.dma_semaphore, #tpu.memory_space<semaphore_mem>>) {add = true}
        %dma_wait3A_41 = arith.constant 0 : i32
        %dma_wait3A_42 = tpu.memref_slice %arg8[%add3A_24, %dma_wait3A_41] : memref<112x128xi32, #tpu.memory_space<vmem>> -> memref<1x128xi32, #tpu.memory_space<vmem>>
        %dma_wait3A_43 = tpu.memref_squeeze %dma_wait3A_42 : memref<1x128xi32, #tpu.memory_space<vmem>> -> memref<128xi32, #tpu.memory_space<vmem>>
        %dma_wait3A_44 = arith.constant 0 : i32
        %dma_wait3A_45 = arith.constant 0 : i32
        %dma_wait3A_46 = tpu.memref_slice %arg10[%dma_wait3A_44, %dma_wait3A_45] : memref<10112x128xf32, #tpu.memory_space<vmem_shared>> -> memref<10112x128xf32, #tpu.memory_space<vmem_shared>>
        tpu.wait_indirect_dma semaphore(%run_scoped3A : memref<!tpu.dma_semaphore, #tpu.memory_space<semaphore_mem>>) src(%arg9 : memref<128x128xf32, #tpu.memory_space<vmem>>) dst(%dma_wait3A_46 : memref<10112x128xf32, #tpu.memory_space<vmem_shared>>)
        tpu.yield
      }) : () -> ()
    }
    %barrier3A_21 = arith.constant 0 : index
    tpu.barrier barrier_id(%barrier3A_21)
    "tpu.region"() ({
      %run_scoped3A = tpu.sem_alloc : memref<!tpu.dma_semaphore, #tpu.memory_space<semaphore_mem>>
      %dma_start3A = arith.constant 0 : i32
      %dma_start3A_22 = tpu.memref_slice %arg6[%arg0, %mul3A_2, %dma_start3A] : memref<2x10112x128xf32, #tpu.memory_space<hbm>> -> memref<1x632x128xf32, #tpu.memory_space<hbm>>
      %dma_start3A_23 = tpu.memref_squeeze %dma_start3A_22 : memref<1x632x128xf32, #tpu.memory_space<hbm>> -> memref<632x128xf32, #tpu.memory_space<hbm>>
      %dma_start3A_24 = arith.constant 0 : i32
      %dma_start3A_25 = tpu.memref_slice %arg10[%mul3A_2, %dma_start3A_24] : memref<10112x128xf32, #tpu.memory_space<vmem_shared>> -> memref<632x128xf32, #tpu.memory_space<vmem_shared>>
      tpu.enqueue_dma source(%dma_start3A_25 : memref<632x128xf32, #tpu.memory_space<vmem_shared>>) target(%dma_start3A_23 : memref<632x128xf32, #tpu.memory_space<hbm>>) target_semaphore(%run_scoped3A : memref<!tpu.dma_semaphore, #tpu.memory_space<semaphore_mem>>)
      %dma_wait3A = arith.constant 0 : i32
      %dma_wait3A_26 = tpu.memref_slice %arg6[%arg0, %mul3A_2, %dma_wait3A] : memref<2x10112x128xf32, #tpu.memory_space<hbm>> -> memref<1x632x128xf32, #tpu.memory_space<hbm>>
      %dma_wait3A_27 = tpu.memref_squeeze %dma_wait3A_26 : memref<1x632x128xf32, #tpu.memory_space<hbm>> -> memref<632x128xf32, #tpu.memory_space<hbm>>
      %dma_wait3A_28 = arith.constant 0 : i32
      %dma_wait3A_29 = tpu.memref_slice %arg10[%mul3A_2, %dma_wait3A_28] : memref<10112x128xf32, #tpu.memory_space<vmem_shared>> -> memref<632x128xf32, #tpu.memory_space<vmem_shared>>
      tpu.wait_dma2 semaphore(%run_scoped3A : memref<!tpu.dma_semaphore, #tpu.memory_space<semaphore_mem>>) src(%dma_wait3A_29 : memref<632x128xf32, #tpu.memory_space<vmem_shared>>) dst(%dma_wait3A_27 : memref<632x128xf32, #tpu.memory_space<hbm>>)
      tpu.yield
    }) : () -> ()
    return
  }
}

#map = affine_map<(d0, d1) -> (0, 0)>
#map1 = affine_map<(d0, d1) -> (0, 0, 0)>
module attributes {stable_mosaic.version = 14 : i64} {
  func.func @_sc_edge_body(%arg0: i32, %arg1: i32, %arg2: memref<10000x128xf32, #tpu.memory_space<hbm>>, %arg3: memref<32x112x128xi32, #tpu.memory_space<hbm>>, %arg4: memref<32x112x128xi32, #tpu.memory_space<hbm>>, %arg5: memref<632x128xf32, #tpu.memory_space<hbm>>, %arg6: memref<2x10112x128xf32, #tpu.memory_space<hbm>>, %arg7: memref<112x128xi32, #tpu.memory_space<vmem>>, %arg8: memref<112x128xi32, #tpu.memory_space<vmem>>, %arg9: memref<128x128xf32, #tpu.memory_space<vmem>>, %arg10: memref<10112x128xf32, #tpu.memory_space<vmem_shared>>, %arg11: memref<!tpu.dma_semaphore, #tpu.memory_space<semaphore_mem>>) attributes {dimension_semantics = [#tpu.dimension_semantics<core_parallel>, #tpu.dimension_semantics<subcore_parallel>], iteration_bounds = array<i64: 2, 16>, scalar_prefetch = 0 : i64, scratch_operands = 5 : i64, tpu.core_type = #tpu.core_type<sc_vector_subcore>, window_params = [{transform_indices = #map}, {transform_indices = #map1}, {transform_indices = #map1}, {transform_indices = #map}, {transform_indices = #map1}]} {
    %mul3A = arith.constant 16 : i32
    %mul3A_0 = arith.muli %arg0, %mul3A : i32
    %add3A = arith.addi %mul3A_0, %arg1 : i32
    %mul3A_1 = arith.constant 632 : i32
    %mul3A_2 = arith.muli %arg1, %mul3A_1 : i32
    "tpu.region"() ({
      %run_scoped3A = tpu.sem_alloc : memref<!tpu.dma_semaphore, #tpu.memory_space<semaphore_mem>>
      %dma_start3A = arith.constant 0 : i32
      %dma_start3A_22 = tpu.memref_slice %arg10[%mul3A_2, %dma_start3A] : memref<10112x128xf32, #tpu.memory_space<vmem_shared>> -> memref<632x128xf32, #tpu.memory_space<vmem_shared>>
      tpu.enqueue_dma source(%arg5 : memref<632x128xf32, #tpu.memory_space<hbm>>) target(%dma_start3A_22 : memref<632x128xf32, #tpu.memory_space<vmem_shared>>) target_semaphore(%run_scoped3A : memref<!tpu.dma_semaphore, #tpu.memory_space<semaphore_mem>>)
      %dma_wait3A = arith.constant 0 : i32
      %dma_wait3A_23 = tpu.memref_slice %arg10[%mul3A_2, %dma_wait3A] : memref<10112x128xf32, #tpu.memory_space<vmem_shared>> -> memref<632x128xf32, #tpu.memory_space<vmem_shared>>
      tpu.wait_dma2 semaphore(%run_scoped3A : memref<!tpu.dma_semaphore, #tpu.memory_space<semaphore_mem>>) src(%arg5 : memref<632x128xf32, #tpu.memory_space<hbm>>) dst(%dma_wait3A_23 : memref<632x128xf32, #tpu.memory_space<vmem_shared>>)
      tpu.yield
    }) : () -> ()
    "tpu.region"() ({
      %run_scoped3A = tpu.sem_alloc : memref<!tpu.dma_semaphore, #tpu.memory_space<semaphore_mem>>
      %dma_start3A = arith.constant 0 : i32
      %dma_start3A_22 = arith.constant 0 : i32
      %dma_start3A_23 = tpu.memref_slice %arg3[%add3A, %dma_start3A, %dma_start3A_22] : memref<32x112x128xi32, #tpu.memory_space<hbm>> -> memref<1x112x128xi32, #tpu.memory_space<hbm>>
      %dma_start3A_24 = tpu.memref_squeeze %dma_start3A_23 : memref<1x112x128xi32, #tpu.memory_space<hbm>> -> memref<112x128xi32, #tpu.memory_space<hbm>>
      %dma_start3A_25 = arith.constant 0 : i32
      %dma_start3A_26 = arith.constant 0 : i32
      %dma_start3A_27 = tpu.memref_slice %arg3[%add3A, %dma_start3A_25, %dma_start3A_26] : memref<32x112x128xi32, #tpu.memory_space<hbm>> -> memref<1x112x128xi32, #tpu.memory_space<hbm>>
      %dma_start3A_28 = tpu.memref_squeeze %dma_start3A_27 : memref<1x112x128xi32, #tpu.memory_space<hbm>> -> memref<112x128xi32, #tpu.memory_space<hbm>>
      tpu.enqueue_dma source(%dma_start3A_28 : memref<112x128xi32, #tpu.memory_space<hbm>>) target(%arg7 : memref<112x128xi32, #tpu.memory_space<vmem>>) target_semaphore(%run_scoped3A : memref<!tpu.dma_semaphore, #tpu.memory_space<semaphore_mem>>)
      %dma_wait3A = arith.constant 0 : i32
      %dma_wait3A_29 = arith.constant 0 : i32
      %dma_wait3A_30 = tpu.memref_slice %arg3[%add3A, %dma_wait3A, %dma_wait3A_29] : memref<32x112x128xi32, #tpu.memory_space<hbm>> -> memref<1x112x128xi32, #tpu.memory_space<hbm>>
      %dma_wait3A_31 = tpu.memref_squeeze %dma_wait3A_30 : memref<1x112x128xi32, #tpu.memory_space<hbm>> -> memref<112x128xi32, #tpu.memory_space<hbm>>
      %dma_wait3A_32 = arith.constant 0 : i32
      %dma_wait3A_33 = arith.constant 0 : i32
      %dma_wait3A_34 = tpu.memref_slice %arg3[%add3A, %dma_wait3A_32, %dma_wait3A_33] : memref<32x112x128xi32, #tpu.memory_space<hbm>> -> memref<1x112x128xi32, #tpu.memory_space<hbm>>
      %dma_wait3A_35 = tpu.memref_squeeze %dma_wait3A_34 : memref<1x112x128xi32, #tpu.memory_space<hbm>> -> memref<112x128xi32, #tpu.memory_space<hbm>>
      tpu.wait_dma2 semaphore(%run_scoped3A : memref<!tpu.dma_semaphore, #tpu.memory_space<semaphore_mem>>) src(%dma_wait3A_35 : memref<112x128xi32, #tpu.memory_space<hbm>>) dst(%arg7 : memref<112x128xi32, #tpu.memory_space<vmem>>)
      tpu.yield
    }) : () -> ()
    "tpu.region"() ({
      %run_scoped3A = tpu.sem_alloc : memref<!tpu.dma_semaphore, #tpu.memory_space<semaphore_mem>>
      %dma_start3A = arith.constant 0 : i32
      %dma_start3A_22 = arith.constant 0 : i32
      %dma_start3A_23 = tpu.memref_slice %arg4[%add3A, %dma_start3A, %dma_start3A_22] : memref<32x112x128xi32, #tpu.memory_space<hbm>> -> memref<1x112x128xi32, #tpu.memory_space<hbm>>
      %dma_start3A_24 = tpu.memref_squeeze %dma_start3A_23 : memref<1x112x128xi32, #tpu.memory_space<hbm>> -> memref<112x128xi32, #tpu.memory_space<hbm>>
      %dma_start3A_25 = arith.constant 0 : i32
      %dma_start3A_26 = arith.constant 0 : i32
      %dma_start3A_27 = tpu.memref_slice %arg4[%add3A, %dma_start3A_25, %dma_start3A_26] : memref<32x112x128xi32, #tpu.memory_space<hbm>> -> memref<1x112x128xi32, #tpu.memory_space<hbm>>
      %dma_start3A_28 = tpu.memref_squeeze %dma_start3A_27 : memref<1x112x128xi32, #tpu.memory_space<hbm>> -> memref<112x128xi32, #tpu.memory_space<hbm>>
      tpu.enqueue_dma source(%dma_start3A_28 : memref<112x128xi32, #tpu.memory_space<hbm>>) target(%arg8 : memref<112x128xi32, #tpu.memory_space<vmem>>) target_semaphore(%run_scoped3A : memref<!tpu.dma_semaphore, #tpu.memory_space<semaphore_mem>>)
      %dma_wait3A = arith.constant 0 : i32
      %dma_wait3A_29 = arith.constant 0 : i32
      %dma_wait3A_30 = tpu.memref_slice %arg4[%add3A, %dma_wait3A, %dma_wait3A_29] : memref<32x112x128xi32, #tpu.memory_space<hbm>> -> memref<1x112x128xi32, #tpu.memory_space<hbm>>
      %dma_wait3A_31 = tpu.memref_squeeze %dma_wait3A_30 : memref<1x112x128xi32, #tpu.memory_space<hbm>> -> memref<112x128xi32, #tpu.memory_space<hbm>>
      %dma_wait3A_32 = arith.constant 0 : i32
      %dma_wait3A_33 = arith.constant 0 : i32
      %dma_wait3A_34 = tpu.memref_slice %arg4[%add3A, %dma_wait3A_32, %dma_wait3A_33] : memref<32x112x128xi32, #tpu.memory_space<hbm>> -> memref<1x112x128xi32, #tpu.memory_space<hbm>>
      %dma_wait3A_35 = tpu.memref_squeeze %dma_wait3A_34 : memref<1x112x128xi32, #tpu.memory_space<hbm>> -> memref<112x128xi32, #tpu.memory_space<hbm>>
      tpu.wait_dma2 semaphore(%run_scoped3A : memref<!tpu.dma_semaphore, #tpu.memory_space<semaphore_mem>>) src(%dma_wait3A_35 : memref<112x128xi32, #tpu.memory_space<hbm>>) dst(%arg8 : memref<112x128xi32, #tpu.memory_space<vmem>>)
      tpu.yield
    }) : () -> ()
    %barrier3A = arith.constant 0 : index
    tpu.barrier barrier_id(%barrier3A)
    %eq3A = arith.constant 0 : i32
    %eq3A_3 = arith.cmpi eq, %arg0, %eq3A : i32
    %jit3A = arith.constant 112 : i32
    %jit3A_4 = arith.constant 48 : i32
    %select_n3A = arith.select %eq3A_3, %jit3A, %jit3A_4 : i32
    %sub3A = arith.constant 0 : i32
    %sub3A_5 = arith.subi %select_n3A, %sub3A : i32
    %sub3A_6 = arith.constant 1 : i32
    %sub3A_7 = arith.constant 1 : i32
    %sub3A_8 = arith.subi %sub3A_6, %sub3A_7 : i32
    %add3A_9 = arith.addi %sub3A_5, %sub3A_8 : i32
    %div3A = arith.constant 1 : i32
    %div3A_10 = arith.divsi %add3A_9, %div3A : i32
    %while3A = arith.constant 1 : i32
    %while3A_11 = arith.constant 0 : i32
    %while3A_12 = arith.constant 0 : i32
    %while3A_13 = arith.subi %div3A_10, %while3A_12 : i32
    %while3A_14 = arith.addi %while3A_12, %while3A_13 : i32
    %while3A_15 = arith.constant 1 : i32
    %while3A_16 = arith.divsi %while3A_13, %while3A_15 : i32
    %while3A_17 = arith.muli %while3A_16, %while3A_15 : i32
    %while3A_18 = arith.addi %while3A_12, %while3A_17 : i32
    %while3A_19 = arith.constant 1 : i32
    scf.for %while3A_22 = %while3A_12 to %while3A_18 step %while3A_19  : i32 {
      %mul3A_23 = arith.muli %while3A_22, %while3A : i32
      %add3A_24 = arith.addi %while3A_11, %mul3A_23 : i32
      %dma_start3A = arith.constant 0 : i32
      %dma_start3A_25 = tpu.memref_slice %arg7[%add3A_24, %dma_start3A] : memref<112x128xi32, #tpu.memory_space<vmem>> -> memref<1x128xi32, #tpu.memory_space<vmem>>
      %dma_start3A_26 = tpu.memref_squeeze %dma_start3A_25 : memref<1x128xi32, #tpu.memory_space<vmem>> -> memref<128xi32, #tpu.memory_space<vmem>>
      %dma_start3A_27 = arith.constant 0 : i32
      %dma_start3A_28 = arith.constant 0 : i32
      %dma_start3A_29 = tpu.memref_slice %arg2[%dma_start3A_27, %dma_start3A_28] : memref<10000x128xf32, #tpu.memory_space<hbm>> -> memref<10000x128xf32, #tpu.memory_space<hbm>>
      tpu.enqueue_indirect_dma source(%dma_start3A_29 : memref<10000x128xf32, #tpu.memory_space<hbm>>) target(%arg9 : memref<128x128xf32, #tpu.memory_space<vmem>>) offsets(%dma_start3A_26 : memref<128xi32, #tpu.memory_space<vmem>>) semaphore(%arg11 : memref<!tpu.dma_semaphore, #tpu.memory_space<semaphore_mem>>)
      %dma_wait3A = arith.constant 0 : i32
      %dma_wait3A_30 = tpu.memref_slice %arg7[%add3A_24, %dma_wait3A] : memref<112x128xi32, #tpu.memory_space<vmem>> -> memref<1x128xi32, #tpu.memory_space<vmem>>
      %dma_wait3A_31 = tpu.memref_squeeze %dma_wait3A_30 : memref<1x128xi32, #tpu.memory_space<vmem>> -> memref<128xi32, #tpu.memory_space<vmem>>
      %dma_wait3A_32 = arith.constant 0 : i32
      %dma_wait3A_33 = arith.constant 0 : i32
      %dma_wait3A_34 = tpu.memref_slice %arg2[%dma_wait3A_32, %dma_wait3A_33] : memref<10000x128xf32, #tpu.memory_space<hbm>> -> memref<10000x128xf32, #tpu.memory_space<hbm>>
      tpu.wait_indirect_dma semaphore(%arg11 : memref<!tpu.dma_semaphore, #tpu.memory_space<semaphore_mem>>) src(%dma_wait3A_34 : memref<10000x128xf32, #tpu.memory_space<hbm>>) dst(%arg9 : memref<128x128xf32, #tpu.memory_space<vmem>>)
      "tpu.region"() ({
        %run_scoped3A = tpu.sem_alloc : memref<!tpu.dma_semaphore, #tpu.memory_space<semaphore_mem>>
        %dma_start3A_35 = arith.constant 0 : i32
        %dma_start3A_36 = tpu.memref_slice %arg8[%add3A_24, %dma_start3A_35] : memref<112x128xi32, #tpu.memory_space<vmem>> -> memref<1x128xi32, #tpu.memory_space<vmem>>
        %dma_start3A_37 = tpu.memref_squeeze %dma_start3A_36 : memref<1x128xi32, #tpu.memory_space<vmem>> -> memref<128xi32, #tpu.memory_space<vmem>>
        %dma_start3A_38 = arith.constant 0 : i32
        %dma_start3A_39 = arith.constant 0 : i32
        %dma_start3A_40 = tpu.memref_slice %arg10[%dma_start3A_38, %dma_start3A_39] : memref<10112x128xf32, #tpu.memory_space<vmem_shared>> -> memref<10112x128xf32, #tpu.memory_space<vmem_shared>>
        tpu.enqueue_indirect_dma source(%arg9 : memref<128x128xf32, #tpu.memory_space<vmem>>) target(%dma_start3A_40 : memref<10112x128xf32, #tpu.memory_space<vmem_shared>>) offsets(%dma_start3A_37 : memref<128xi32, #tpu.memory_space<vmem>>) semaphore(%run_scoped3A : memref<!tpu.dma_semaphore, #tpu.memory_space<semaphore_mem>>) {add = true}
        %dma_wait3A_41 = arith.constant 0 : i32
        %dma_wait3A_42 = tpu.memref_slice %arg8[%add3A_24, %dma_wait3A_41] : memref<112x128xi32, #tpu.memory_space<vmem>> -> memref<1x128xi32, #tpu.memory_space<vmem>>
        %dma_wait3A_43 = tpu.memref_squeeze %dma_wait3A_42 : memref<1x128xi32, #tpu.memory_space<vmem>> -> memref<128xi32, #tpu.memory_space<vmem>>
        %dma_wait3A_44 = arith.constant 0 : i32
        %dma_wait3A_45 = arith.constant 0 : i32
        %dma_wait3A_46 = tpu.memref_slice %arg10[%dma_wait3A_44, %dma_wait3A_45] : memref<10112x128xf32, #tpu.memory_space<vmem_shared>> -> memref<10112x128xf32, #tpu.memory_space<vmem_shared>>
        tpu.wait_indirect_dma semaphore(%run_scoped3A : memref<!tpu.dma_semaphore, #tpu.memory_space<semaphore_mem>>) src(%arg9 : memref<128x128xf32, #tpu.memory_space<vmem>>) dst(%dma_wait3A_46 : memref<10112x128xf32, #tpu.memory_space<vmem_shared>>)
        tpu.yield
      }) : () -> ()
    }
    %while3A_20 = arith.constant 1 : i32
    scf.for %while3A_22 = %while3A_18 to %while3A_14 step %while3A_20  : i32 {
      %mul3A_23 = arith.muli %while3A_22, %while3A : i32
      %add3A_24 = arith.addi %while3A_11, %mul3A_23 : i32
      %dma_start3A = arith.constant 0 : i32
      %dma_start3A_25 = tpu.memref_slice %arg7[%add3A_24, %dma_start3A] : memref<112x128xi32, #tpu.memory_space<vmem>> -> memref<1x128xi32, #tpu.memory_space<vmem>>
      %dma_start3A_26 = tpu.memref_squeeze %dma_start3A_25 : memref<1x128xi32, #tpu.memory_space<vmem>> -> memref<128xi32, #tpu.memory_space<vmem>>
      %dma_start3A_27 = arith.constant 0 : i32
      %dma_start3A_28 = arith.constant 0 : i32
      %dma_start3A_29 = tpu.memref_slice %arg2[%dma_start3A_27, %dma_start3A_28] : memref<10000x128xf32, #tpu.memory_space<hbm>> -> memref<10000x128xf32, #tpu.memory_space<hbm>>
      tpu.enqueue_indirect_dma source(%dma_start3A_29 : memref<10000x128xf32, #tpu.memory_space<hbm>>) target(%arg9 : memref<128x128xf32, #tpu.memory_space<vmem>>) offsets(%dma_start3A_26 : memref<128xi32, #tpu.memory_space<vmem>>) semaphore(%arg11 : memref<!tpu.dma_semaphore, #tpu.memory_space<semaphore_mem>>)
      %dma_wait3A = arith.constant 0 : i32
      %dma_wait3A_30 = tpu.memref_slice %arg7[%add3A_24, %dma_wait3A] : memref<112x128xi32, #tpu.memory_space<vmem>> -> memref<1x128xi32, #tpu.memory_space<vmem>>
      %dma_wait3A_31 = tpu.memref_squeeze %dma_wait3A_30 : memref<1x128xi32, #tpu.memory_space<vmem>> -> memref<128xi32, #tpu.memory_space<vmem>>
      %dma_wait3A_32 = arith.constant 0 : i32
      %dma_wait3A_33 = arith.constant 0 : i32
      %dma_wait3A_34 = tpu.memref_slice %arg2[%dma_wait3A_32, %dma_wait3A_33] : memref<10000x128xf32, #tpu.memory_space<hbm>> -> memref<10000x128xf32, #tpu.memory_space<hbm>>
      tpu.wait_indirect_dma semaphore(%arg11 : memref<!tpu.dma_semaphore, #tpu.memory_space<semaphore_mem>>) src(%dma_wait3A_34 : memref<10000x128xf32, #tpu.memory_space<hbm>>) dst(%arg9 : memref<128x128xf32, #tpu.memory_space<vmem>>)
      "tpu.region"() ({
        %run_scoped3A = tpu.sem_alloc : memref<!tpu.dma_semaphore, #tpu.memory_space<semaphore_mem>>
        %dma_start3A_35 = arith.constant 0 : i32
        %dma_start3A_36 = tpu.memref_slice %arg8[%add3A_24, %dma_start3A_35] : memref<112x128xi32, #tpu.memory_space<vmem>> -> memref<1x128xi32, #tpu.memory_space<vmem>>
        %dma_start3A_37 = tpu.memref_squeeze %dma_start3A_36 : memref<1x128xi32, #tpu.memory_space<vmem>> -> memref<128xi32, #tpu.memory_space<vmem>>
        %dma_start3A_38 = arith.constant 0 : i32
        %dma_start3A_39 = arith.constant 0 : i32
        %dma_start3A_40 = tpu.memref_slice %arg10[%dma_start3A_38, %dma_start3A_39] : memref<10112x128xf32, #tpu.memory_space<vmem_shared>> -> memref<10112x128xf32, #tpu.memory_space<vmem_shared>>
        tpu.enqueue_indirect_dma source(%arg9 : memref<128x128xf32, #tpu.memory_space<vmem>>) target(%dma_start3A_40 : memref<10112x128xf32, #tpu.memory_space<vmem_shared>>) offsets(%dma_start3A_37 : memref<128xi32, #tpu.memory_space<vmem>>) semaphore(%run_scoped3A : memref<!tpu.dma_semaphore, #tpu.memory_space<semaphore_mem>>) {add = true}
        %dma_wait3A_41 = arith.constant 0 : i32
        %dma_wait3A_42 = tpu.memref_slice %arg8[%add3A_24, %dma_wait3A_41] : memref<112x128xi32, #tpu.memory_space<vmem>> -> memref<1x128xi32, #tpu.memory_space<vmem>>
        %dma_wait3A_43 = tpu.memref_squeeze %dma_wait3A_42 : memref<1x128xi32, #tpu.memory_space<vmem>> -> memref<128xi32, #tpu.memory_space<vmem>>
        %dma_wait3A_44 = arith.constant 0 : i32
        %dma_wait3A_45 = arith.constant 0 : i32
        %dma_wait3A_46 = tpu.memref_slice %arg10[%dma_wait3A_44, %dma_wait3A_45] : memref<10112x128xf32, #tpu.memory_space<vmem_shared>> -> memref<10112x128xf32, #tpu.memory_space<vmem_shared>>
        tpu.wait_indirect_dma semaphore(%run_scoped3A : memref<!tpu.dma_semaphore, #tpu.memory_space<semaphore_mem>>) src(%arg9 : memref<128x128xf32, #tpu.memory_space<vmem>>) dst(%dma_wait3A_46 : memref<10112x128xf32, #tpu.memory_space<vmem_shared>>)
        tpu.yield
      }) : () -> ()
    }
    %barrier3A_21 = arith.constant 0 : index
    tpu.barrier barrier_id(%barrier3A_21)
    "tpu.region"() ({
      %run_scoped3A = tpu.sem_alloc : memref<!tpu.dma_semaphore, #tpu.memory_space<semaphore_mem>>
      %dma_start3A = arith.constant 0 : i32
      %dma_start3A_22 = tpu.memref_slice %arg6[%arg0, %mul3A_2, %dma_start3A] : memref<2x10112x128xf32, #tpu.memory_space<hbm>> -> memref<1x632x128xf32, #tpu.memory_space<hbm>>
      %dma_start3A_23 = tpu.memref_squeeze %dma_start3A_22 : memref<1x632x128xf32, #tpu.memory_space<hbm>> -> memref<632x128xf32, #tpu.memory_space<hbm>>
      %dma_start3A_24 = arith.constant 0 : i32
      %dma_start3A_25 = tpu.memref_slice %arg10[%mul3A_2, %dma_start3A_24] : memref<10112x128xf32, #tpu.memory_space<vmem_shared>> -> memref<632x128xf32, #tpu.memory_space<vmem_shared>>
      tpu.enqueue_dma source(%dma_start3A_25 : memref<632x128xf32, #tpu.memory_space<vmem_shared>>) target(%dma_start3A_23 : memref<632x128xf32, #tpu.memory_space<hbm>>) target_semaphore(%run_scoped3A : memref<!tpu.dma_semaphore, #tpu.memory_space<semaphore_mem>>)
      %dma_wait3A = arith.constant 0 : i32
      %dma_wait3A_26 = tpu.memref_slice %arg6[%arg0, %mul3A_2, %dma_wait3A] : memref<2x10112x128xf32, #tpu.memory_space<hbm>> -> memref<1x632x128xf32, #tpu.memory_space<hbm>>
      %dma_wait3A_27 = tpu.memref_squeeze %dma_wait3A_26 : memref<1x632x128xf32, #tpu.memory_space<hbm>> -> memref<632x128xf32, #tpu.memory_space<hbm>>
      %dma_wait3A_28 = arith.constant 0 : i32
      %dma_wait3A_29 = tpu.memref_slice %arg10[%mul3A_2, %dma_wait3A_28] : memref<10112x128xf32, #tpu.memory_space<vmem_shared>> -> memref<632x128xf32, #tpu.memory_space<vmem_shared>>
      tpu.wait_dma2 semaphore(%run_scoped3A : memref<!tpu.dma_semaphore, #tpu.memory_space<semaphore_mem>>) src(%dma_wait3A_29 : memref<632x128xf32, #tpu.memory_space<vmem_shared>>) dst(%dma_wait3A_27 : memref<632x128xf32, #tpu.memory_space<hbm>>)
      tpu.yield
    }) : () -> ()
    return
  }
}

module attributes {stable_mosaic.version = 14 : i64} {
  func.func @_init_body(%arg0: memref<2x10112x16xf32, #tpu.memory_space<vmem>>, %arg1: memref<10000x128xf32, #tpu.memory_space<vmem>>, %arg2: memref<128x128xf32, #tpu.memory_space<vmem>>, %arg3: memref<1x128xf32, #tpu.memory_space<vmem>>, %arg4: memref<128x128xf32, #tpu.memory_space<vmem>>, %arg5: memref<10000x128xf32, #tpu.memory_space<vmem>>, %arg6: memref<10000x128xf32, #tpu.memory_space<vmem>>, %arg7: memref<10000x1xf32, #tpu.memory_space<vmem>>) attributes {dimension_semantics = [], scalar_prefetch = 0 : i64, scratch_operands = 0 : i64, tpu.core_type = #tpu.core_type<tc>} {
    %get3A = arith.constant 0 : index
    %get3A_0 = arith.constant 0 : index
    %get3A_1 = arith.constant 0 : index
    %get3A_2 = vector.load %arg0[%get3A, %get3A_0, %get3A_1] : memref<2x10112x16xf32, #tpu.memory_space<vmem>>, vector<1x10000x16xf32>
    %get3A_3 = vector.shape_cast %get3A_2 : vector<1x10000x16xf32> to vector<10000x16xf32>
    %get3A_4 = arith.constant 1 : index
    %get3A_5 = arith.constant 0 : index
    %get3A_6 = arith.constant 0 : index
    %get3A_7 = vector.load %arg0[%get3A_4, %get3A_5, %get3A_6] : memref<2x10112x16xf32, #tpu.memory_space<vmem>>, vector<1x10000x16xf32>
    %get3A_8 = vector.shape_cast %get3A_7 : vector<1x10000x16xf32> to vector<10000x16xf32>
    %add3A = arith.addf %get3A_3, %get3A_8 : vector<10000x16xf32>
    %reduce_sum3A = arith.constant dense<0.000000e+00> : vector<10000xf32>
    %reduce_sum3A_9 = vector.multi_reduction <add>, %add3A, %reduce_sum3A [1] : vector<10000x16xf32> to vector<10000xf32>
    %broadcast_in_dim3A = vector.shape_cast %reduce_sum3A_9 : vector<10000xf32> to vector<10000x1xf32>
    %mul3A = arith.constant 6.250000e-02 : f32
    %mul3A_10 = vector.broadcast %mul3A : f32 to vector<10000x1xf32>
    %mul3A_11 = arith.mulf %broadcast_in_dim3A, %mul3A_10 : vector<10000x1xf32>
    %add3A_12 = arith.constant 1.000000e+00 : f32
    %add3A_13 = vector.broadcast %add3A_12 : f32 to vector<10000x1xf32>
    %add3A_14 = arith.addf %mul3A_11, %add3A_13 : vector<10000x1xf32>
    %rsqrt3A = math.rsqrt %add3A_14 : vector<10000x1xf32>
    %get3A_15 = arith.constant 0 : index
    %get3A_16 = arith.constant 0 : index
    %get3A_17 = vector.load %arg1[%get3A_15, %get3A_16] : memref<10000x128xf32, #tpu.memory_space<vmem>>, vector<10000x128xf32>
    %get3A_18 = arith.constant 0 : index
    %get3A_19 = arith.constant 0 : index
    %get3A_20 = vector.load %arg2[%get3A_18, %get3A_19] : memref<128x128xf32, #tpu.memory_space<vmem>>, vector<128x128xf32>
    %dot_general3A = arith.constant dense<0.000000e+00> : vector<10000x128xf32>
    %dot_general3A_21 = tpu.matmul %get3A_17, %get3A_20, %dot_general3A {dimension_numbers = #tpu.dot_dimension_numbers<[1], [0], [0], [1], [0, 0, 1, 1], [], []>, transpose_lhs_hint = false} : vector<10000x128xf32>, vector<128x128xf32>, vector<10000x128xf32> -> vector<10000x128xf32>
    %get3A_22 = arith.constant 0 : index
    %get3A_23 = arith.constant 0 : index
    %get3A_24 = vector.load %arg3[%get3A_22, %get3A_23] : memref<1x128xf32, #tpu.memory_space<vmem>>, vector<1x128xf32>
    %add3A_25 = vector.broadcast %get3A_24 : vector<1x128xf32> to vector<10000x128xf32>
    %add3A_26 = arith.addf %dot_general3A_21, %add3A_25 : vector<10000x128xf32>
    %swap3A = arith.constant 0 : index
    %swap3A_27 = arith.constant 0 : index
    %swap3A_28 = vector.load %arg5[%swap3A, %swap3A_27] : memref<10000x128xf32, #tpu.memory_space<vmem>>, vector<10000x128xf32>
    tpu.vector_store %arg5[%swap3A, %swap3A_27], %add3A_26 {strides = array<i32>} : memref<10000x128xf32, #tpu.memory_space<vmem>>, vector<10000x128xf32>,
    %swap3A_29 = arith.constant 0 : index
    %swap3A_30 = arith.constant 0 : index
    %swap3A_31 = vector.load %arg7[%swap3A_29, %swap3A_30] : memref<10000x1xf32, #tpu.memory_space<vmem>>, vector<10000x1xf32>
    tpu.vector_store %arg7[%swap3A_29, %swap3A_30], %rsqrt3A {strides = array<i32>} : memref<10000x1xf32, #tpu.memory_space<vmem>>, vector<10000x1xf32>,
    %get3A_32 = arith.constant 0 : index
    %get3A_33 = arith.constant 0 : index
    %get3A_34 = vector.load %arg4[%get3A_32, %get3A_33] : memref<128x128xf32, #tpu.memory_space<vmem>>, vector<128x128xf32>
    %dot_general3A_35 = arith.constant dense<0.000000e+00> : vector<10000x128xf32>
    %dot_general3A_36 = tpu.matmul %add3A_26, %get3A_34, %dot_general3A_35 {dimension_numbers = #tpu.dot_dimension_numbers<[1], [0], [0], [1], [0, 0, 1, 1], [], []>, transpose_lhs_hint = false} : vector<10000x128xf32>, vector<128x128xf32>, vector<10000x128xf32> -> vector<10000x128xf32>
    %mul3A_37 = vector.broadcast %rsqrt3A : vector<10000x1xf32> to vector<10000x128xf32>
    %mul3A_38 = arith.mulf %dot_general3A_36, %mul3A_37 : vector<10000x128xf32>
    %swap3A_39 = arith.constant 0 : index
    %swap3A_40 = arith.constant 0 : index
    %swap3A_41 = vector.load %arg6[%swap3A_39, %swap3A_40] : memref<10000x128xf32, #tpu.memory_space<vmem>>, vector<10000x128xf32>
    tpu.vector_store %arg6[%swap3A_39, %swap3A_40], %mul3A_38 {strides = array<i32>} : memref<10000x128xf32, #tpu.memory_space<vmem>>, vector<10000x128xf32>,
    return
  }
}

module attributes {stable_mosaic.version = 14 : i64} {
  func.func @_finish_body(%arg0: memref<10000x128xf32, #tpu.memory_space<vmem>>, %arg1: memref<10000x128xf32, #tpu.memory_space<vmem>>, %arg2: memref<2x10112x128xf32, #tpu.memory_space<vmem>>, %arg3: memref<10000x1xf32, #tpu.memory_space<vmem>>, %arg4: memref<1x128xf32, #tpu.memory_space<vmem>>, %arg5: memref<1x128xf32, #tpu.memory_space<vmem>>, %arg6: memref<1x128xf32, #tpu.memory_space<vmem>>, %arg7: memref<128x128xf32, #tpu.memory_space<vmem>>, %arg8: memref<10000x128xf32, #tpu.memory_space<vmem>>, %arg9: memref<10000x128xf32, #tpu.memory_space<vmem>>) attributes {dimension_semantics = [], scalar_prefetch = 0 : i64, scratch_operands = 0 : i64, tpu.core_type = #tpu.core_type<tc>} {
    %get3A = arith.constant 0 : index
    %get3A_0 = arith.constant 0 : index
    %get3A_1 = vector.load %arg3[%get3A, %get3A_0] : memref<10000x1xf32, #tpu.memory_space<vmem>>, vector<10000x1xf32>
    %get3A_2 = arith.constant 0 : index
    %get3A_3 = arith.constant 0 : index
    %get3A_4 = arith.constant 0 : index
    %get3A_5 = vector.load %arg2[%get3A_2, %get3A_3, %get3A_4] : memref<2x10112x128xf32, #tpu.memory_space<vmem>>, vector<1x10000x128xf32>
    %get3A_6 = vector.shape_cast %get3A_5 : vector<1x10000x128xf32> to vector<10000x128xf32>
    %get3A_7 = arith.constant 1 : index
    %get3A_8 = arith.constant 0 : index
    %get3A_9 = arith.constant 0 : index
    %get3A_10 = vector.load %arg2[%get3A_7, %get3A_8, %get3A_9] : memref<2x10112x128xf32, #tpu.memory_space<vmem>>, vector<1x10000x128xf32>
    %get3A_11 = vector.shape_cast %get3A_10 : vector<1x10000x128xf32> to vector<10000x128xf32>
    %add3A = arith.addf %get3A_6, %get3A_11 : vector<10000x128xf32>
    %get3A_12 = arith.constant 0 : index
    %get3A_13 = arith.constant 0 : index
    %get3A_14 = vector.load %arg1[%get3A_12, %get3A_13] : memref<10000x128xf32, #tpu.memory_space<vmem>>, vector<10000x128xf32>
    %add3A_15 = arith.addf %add3A, %get3A_14 : vector<10000x128xf32>
    %mul3A = vector.broadcast %get3A_1 : vector<10000x1xf32> to vector<10000x128xf32>
    %mul3A_16 = arith.mulf %add3A_15, %mul3A : vector<10000x128xf32>
    %get3A_17 = arith.constant 0 : index
    %get3A_18 = arith.constant 0 : index
    %get3A_19 = vector.load %arg4[%get3A_17, %get3A_18] : memref<1x128xf32, #tpu.memory_space<vmem>>, vector<1x128xf32>
    %add3A_20 = vector.broadcast %get3A_19 : vector<1x128xf32> to vector<10000x128xf32>
    %add3A_21 = arith.addf %mul3A_16, %add3A_20 : vector<10000x128xf32>
    %reduce_sum3A = arith.constant dense<0.000000e+00> : vector<128xf32>
    %reduce_sum3A_22 = vector.multi_reduction <add>, %add3A_21, %reduce_sum3A [0] : vector<10000x128xf32> to vector<128xf32>
    %broadcast_in_dim3A = vector.shape_cast %reduce_sum3A_22 : vector<128xf32> to vector<1x128xf32>
    %div3A = arith.constant 1.000000e+04 : f32
    %div3A_23 = vector.broadcast %div3A : f32 to vector<1x128xf32>
    %div3A_24 = arith.divf %broadcast_in_dim3A, %div3A_23 : vector<1x128xf32>
    %sub3A = vector.broadcast %div3A_24 : vector<1x128xf32> to vector<10000x128xf32>
    %sub3A_25 = arith.subf %add3A_21, %sub3A : vector<10000x128xf32>
    %integer_pow3A = arith.mulf %sub3A_25, %sub3A_25 : vector<10000x128xf32>
    %reduce_sum3A_26 = arith.constant dense<0.000000e+00> : vector<128xf32>
    %reduce_sum3A_27 = vector.multi_reduction <add>, %integer_pow3A, %reduce_sum3A_26 [0] : vector<10000x128xf32> to vector<128xf32>
    %broadcast_in_dim3A_28 = vector.shape_cast %reduce_sum3A_27 : vector<128xf32> to vector<1x128xf32>
    %div3A_29 = arith.constant 1.000000e+04 : f32
    %div3A_30 = vector.broadcast %div3A_29 : f32 to vector<1x128xf32>
    %div3A_31 = arith.divf %broadcast_in_dim3A_28, %div3A_30 : vector<1x128xf32>
    %sub3A_32 = vector.broadcast %div3A_24 : vector<1x128xf32> to vector<10000x128xf32>
    %sub3A_33 = arith.subf %add3A_21, %sub3A_32 : vector<10000x128xf32>
    %add3A_34 = arith.constant 9.99999974E-6 : f32
    %add3A_35 = vector.broadcast %add3A_34 : f32 to vector<1x128xf32>
    %add3A_36 = arith.addf %div3A_31, %add3A_35 : vector<1x128xf32>
    %rsqrt3A = math.rsqrt %add3A_36 : vector<1x128xf32>
    %mul3A_37 = vector.broadcast %rsqrt3A : vector<1x128xf32> to vector<10000x128xf32>
    %mul3A_38 = arith.mulf %sub3A_33, %mul3A_37 : vector<10000x128xf32>
    %get3A_39 = arith.constant 0 : index
    %get3A_40 = arith.constant 0 : index
    %get3A_41 = vector.load %arg5[%get3A_39, %get3A_40] : memref<1x128xf32, #tpu.memory_space<vmem>>, vector<1x128xf32>
    %mul3A_42 = vector.broadcast %get3A_41 : vector<1x128xf32> to vector<10000x128xf32>
    %mul3A_43 = arith.mulf %mul3A_38, %mul3A_42 : vector<10000x128xf32>
    %get3A_44 = arith.constant 0 : index
    %get3A_45 = arith.constant 0 : index
    %get3A_46 = vector.load %arg6[%get3A_44, %get3A_45] : memref<1x128xf32, #tpu.memory_space<vmem>>, vector<1x128xf32>
    %add3A_47 = vector.broadcast %get3A_46 : vector<1x128xf32> to vector<10000x128xf32>
    %add3A_48 = arith.addf %mul3A_43, %add3A_47 : vector<10000x128xf32>
    %get3A_49 = arith.constant 0 : index
    %get3A_50 = arith.constant 0 : index
    %get3A_51 = vector.load %arg0[%get3A_49, %get3A_50] : memref<10000x128xf32, #tpu.memory_space<vmem>>, vector<10000x128xf32>
    %max3A = arith.constant 0.000000e+00 : f32
    %max3A_52 = vector.broadcast %max3A : f32 to vector<10000x128xf32>
    %max3A_53 = arith.maximumf %add3A_48, %max3A_52 : vector<10000x128xf32>
    %add3A_54 = arith.addf %get3A_51, %max3A_53 : vector<10000x128xf32>
    %swap3A = arith.constant 0 : index
    %swap3A_55 = arith.constant 0 : index
    %swap3A_56 = vector.load %arg8[%swap3A, %swap3A_55] : memref<10000x128xf32, #tpu.memory_space<vmem>>, vector<10000x128xf32>
    tpu.vector_store %arg8[%swap3A, %swap3A_55], %add3A_54 {strides = array<i32>} : memref<10000x128xf32, #tpu.memory_space<vmem>>, vector<10000x128xf32>,
    %get3A_57 = arith.constant 0 : index
    %get3A_58 = arith.constant 0 : index
    %get3A_59 = vector.load %arg7[%get3A_57, %get3A_58] : memref<128x128xf32, #tpu.memory_space<vmem>>, vector<128x128xf32>
    %dot_general3A = arith.constant dense<0.000000e+00> : vector<10000x128xf32>
    %dot_general3A_60 = tpu.matmul %add3A_54, %get3A_59, %dot_general3A {dimension_numbers = #tpu.dot_dimension_numbers<[1], [0], [0], [1], [0, 0, 1, 1], [], []>, transpose_lhs_hint = false} : vector<10000x128xf32>, vector<128x128xf32>, vector<10000x128xf32> -> vector<10000x128xf32>
    %mul3A_61 = vector.broadcast %get3A_1 : vector<10000x1xf32> to vector<10000x128xf32>
    %mul3A_62 = arith.mulf %dot_general3A_60, %mul3A_61 : vector<10000x128xf32>
    %swap3A_63 = arith.constant 0 : index
    %swap3A_64 = arith.constant 0 : index
    %swap3A_65 = vector.load %arg9[%swap3A_63, %swap3A_64] : memref<10000x128xf32, #tpu.memory_space<vmem>>, vector<10000x128xf32>
    tpu.vector_store %arg9[%swap3A_63, %swap3A_64], %mul3A_62 {strides = array<i32>} : memref<10000x128xf32, #tpu.memory_space<vmem>>, vector<10000x128xf32>,
    return
  }
}

module attributes {stable_mosaic.version = 14 : i64} {
  func.func @_final_body(%arg0: memref<10000x128xf32, #tpu.memory_space<vmem>>, %arg1: memref<10000x128xf32, #tpu.memory_space<vmem>>, %arg2: memref<2x10112x128xf32, #tpu.memory_space<vmem>>, %arg3: memref<10000x1xf32, #tpu.memory_space<vmem>>, %arg4: memref<1x128xf32, #tpu.memory_space<vmem>>, %arg5: memref<1x128xf32, #tpu.memory_space<vmem>>, %arg6: memref<1x128xf32, #tpu.memory_space<vmem>>, %arg7: memref<1x10000xi32, #tpu.memory_space<vmem>>, %arg8: memref<128x64xf32, #tpu.memory_space<vmem>>, %arg9: memref<1x64xf32, #tpu.memory_space<vmem>>, %arg10: memref<64x32xf32, #tpu.memory_space<vmem>>, %arg11: memref<1x32xf32, #tpu.memory_space<vmem>>, %arg12: memref<32x10xf32, #tpu.memory_space<vmem>>, %arg13: memref<1x10xf32, #tpu.memory_space<vmem>>, %arg14: memref<128x10xf32, #tpu.memory_space<vmem>>) attributes {dimension_semantics = [], scalar_prefetch = 0 : i64, scratch_operands = 0 : i64, tpu.core_type = #tpu.core_type<tc>} {
    %get3A = arith.constant 0 : index
    %get3A_0 = arith.constant 0 : index
    %get3A_1 = vector.load %arg3[%get3A, %get3A_0] : memref<10000x1xf32, #tpu.memory_space<vmem>>, vector<10000x1xf32>
    %get3A_2 = arith.constant 0 : index
    %get3A_3 = arith.constant 0 : index
    %get3A_4 = arith.constant 0 : index
    %get3A_5 = vector.load %arg2[%get3A_2, %get3A_3, %get3A_4] : memref<2x10112x128xf32, #tpu.memory_space<vmem>>, vector<1x10000x128xf32>
    %get3A_6 = vector.shape_cast %get3A_5 : vector<1x10000x128xf32> to vector<10000x128xf32>
    %get3A_7 = arith.constant 1 : index
    %get3A_8 = arith.constant 0 : index
    %get3A_9 = arith.constant 0 : index
    %get3A_10 = vector.load %arg2[%get3A_7, %get3A_8, %get3A_9] : memref<2x10112x128xf32, #tpu.memory_space<vmem>>, vector<1x10000x128xf32>
    %get3A_11 = vector.shape_cast %get3A_10 : vector<1x10000x128xf32> to vector<10000x128xf32>
    %add3A = arith.addf %get3A_6, %get3A_11 : vector<10000x128xf32>
    %get3A_12 = arith.constant 0 : index
    %get3A_13 = arith.constant 0 : index
    %get3A_14 = vector.load %arg1[%get3A_12, %get3A_13] : memref<10000x128xf32, #tpu.memory_space<vmem>>, vector<10000x128xf32>
    %add3A_15 = arith.addf %add3A, %get3A_14 : vector<10000x128xf32>
    %mul3A = vector.broadcast %get3A_1 : vector<10000x1xf32> to vector<10000x128xf32>
    %mul3A_16 = arith.mulf %add3A_15, %mul3A : vector<10000x128xf32>
    %get3A_17 = arith.constant 0 : index
    %get3A_18 = arith.constant 0 : index
    %get3A_19 = vector.load %arg4[%get3A_17, %get3A_18] : memref<1x128xf32, #tpu.memory_space<vmem>>, vector<1x128xf32>
    %add3A_20 = vector.broadcast %get3A_19 : vector<1x128xf32> to vector<10000x128xf32>
    %add3A_21 = arith.addf %mul3A_16, %add3A_20 : vector<10000x128xf32>
    %reduce_sum3A = arith.constant dense<0.000000e+00> : vector<128xf32>
    %reduce_sum3A_22 = vector.multi_reduction <add>, %add3A_21, %reduce_sum3A [0] : vector<10000x128xf32> to vector<128xf32>
    %broadcast_in_dim3A = vector.shape_cast %reduce_sum3A_22 : vector<128xf32> to vector<1x128xf32>
    %div3A = arith.constant 1.000000e+04 : f32
    %div3A_23 = vector.broadcast %div3A : f32 to vector<1x128xf32>
    %div3A_24 = arith.divf %broadcast_in_dim3A, %div3A_23 : vector<1x128xf32>
    %sub3A = vector.broadcast %div3A_24 : vector<1x128xf32> to vector<10000x128xf32>
    %sub3A_25 = arith.subf %add3A_21, %sub3A : vector<10000x128xf32>
    %integer_pow3A = arith.mulf %sub3A_25, %sub3A_25 : vector<10000x128xf32>
    %reduce_sum3A_26 = arith.constant dense<0.000000e+00> : vector<128xf32>
    %reduce_sum3A_27 = vector.multi_reduction <add>, %integer_pow3A, %reduce_sum3A_26 [0] : vector<10000x128xf32> to vector<128xf32>
    %broadcast_in_dim3A_28 = vector.shape_cast %reduce_sum3A_27 : vector<128xf32> to vector<1x128xf32>
    %div3A_29 = arith.constant 1.000000e+04 : f32
    %div3A_30 = vector.broadcast %div3A_29 : f32 to vector<1x128xf32>
    %div3A_31 = arith.divf %broadcast_in_dim3A_28, %div3A_30 : vector<1x128xf32>
    %sub3A_32 = vector.broadcast %div3A_24 : vector<1x128xf32> to vector<10000x128xf32>
    %sub3A_33 = arith.subf %add3A_21, %sub3A_32 : vector<10000x128xf32>
    %add3A_34 = arith.constant 9.99999974E-6 : f32
    %add3A_35 = vector.broadcast %add3A_34 : f32 to vector<1x128xf32>
    %add3A_36 = arith.addf %div3A_31, %add3A_35 : vector<1x128xf32>
    %rsqrt3A = math.rsqrt %add3A_36 : vector<1x128xf32>
    %mul3A_37 = vector.broadcast %rsqrt3A : vector<1x128xf32> to vector<10000x128xf32>
    %mul3A_38 = arith.mulf %sub3A_33, %mul3A_37 : vector<10000x128xf32>
    %get3A_39 = arith.constant 0 : index
    %get3A_40 = arith.constant 0 : index
    %get3A_41 = vector.load %arg5[%get3A_39, %get3A_40] : memref<1x128xf32, #tpu.memory_space<vmem>>, vector<1x128xf32>
    %mul3A_42 = vector.broadcast %get3A_41 : vector<1x128xf32> to vector<10000x128xf32>
    %mul3A_43 = arith.mulf %mul3A_38, %mul3A_42 : vector<10000x128xf32>
    %get3A_44 = arith.constant 0 : index
    %get3A_45 = arith.constant 0 : index
    %get3A_46 = vector.load %arg6[%get3A_44, %get3A_45] : memref<1x128xf32, #tpu.memory_space<vmem>>, vector<1x128xf32>
    %add3A_47 = vector.broadcast %get3A_46 : vector<1x128xf32> to vector<10000x128xf32>
    %add3A_48 = arith.addf %mul3A_43, %add3A_47 : vector<10000x128xf32>
    %get3A_49 = arith.constant 0 : index
    %get3A_50 = arith.constant 0 : index
    %get3A_51 = vector.load %arg0[%get3A_49, %get3A_50] : memref<10000x128xf32, #tpu.memory_space<vmem>>, vector<10000x128xf32>
    %max3A = arith.constant 0.000000e+00 : f32
    %max3A_52 = vector.broadcast %max3A : f32 to vector<10000x128xf32>
    %max3A_53 = arith.maximumf %add3A_48, %max3A_52 : vector<10000x128xf32>
    %add3A_54 = arith.addf %get3A_51, %max3A_53 : vector<10000x128xf32>
    %iota3A = tpu.iota {dimensions = array<i32: 0>} : vector<128x10000xi32>
    %get3A_55 = arith.constant 0 : index
    %get3A_56 = arith.constant 0 : index
    %get3A_57 = vector.load %arg7[%get3A_55, %get3A_56] : memref<1x10000xi32, #tpu.memory_space<vmem>>, vector<1x10000xi32>
    %eq3A = vector.broadcast %get3A_57 : vector<1x10000xi32> to vector<128x10000xi32>
    %eq3A_58 = arith.cmpi eq, %iota3A, %eq3A : vector<128x10000xi32>
    %convert_element_type3A = arith.extui %eq3A_58 : vector<128x10000xi1> to vector<128x10000xi32>
    %convert_element_type3A_59 = arith.sitofp %convert_element_type3A : vector<128x10000xi32> to vector<128x10000xf32>
    %dot_general3A = arith.constant dense<0.000000e+00> : vector<128x128xf32>
    %dot_general3A_60 = tpu.matmul %convert_element_type3A_59, %add3A_54, %dot_general3A {dimension_numbers = #tpu.dot_dimension_numbers<[1], [0], [0], [1], [0, 0, 1, 1], [], []>, transpose_lhs_hint = false} : vector<128x10000xf32>, vector<10000x128xf32>, vector<128x128xf32> -> vector<128x128xf32>
    %reduce_sum3A_61 = arith.constant dense<0.000000e+00> : vector<128xf32>
    %reduce_sum3A_62 = vector.multi_reduction <add>, %convert_element_type3A_59, %reduce_sum3A_61 [1] : vector<128x10000xf32> to vector<128xf32>
    %broadcast_in_dim3A_63 = vector.shape_cast %reduce_sum3A_62 : vector<128xf32> to vector<128x1xf32>
    %max3A_64 = arith.constant 1.000000e+00 : f32
    %max3A_65 = vector.broadcast %max3A_64 : f32 to vector<128x1xf32>
    %max3A_66 = arith.maximumf %broadcast_in_dim3A_63, %max3A_65 : vector<128x1xf32>
    %div3A_67 = vector.broadcast %max3A_66 : vector<128x1xf32> to vector<128x128xf32>
    %div3A_68 = arith.divf %dot_general3A_60, %div3A_67 : vector<128x128xf32>
    %get3A_69 = arith.constant 0 : index
    %get3A_70 = arith.constant 0 : index
    %get3A_71 = vector.load %arg8[%get3A_69, %get3A_70] : memref<128x64xf32, #tpu.memory_space<vmem>>, vector<128x64xf32>
    %dot_general3A_72 = arith.constant dense<0.000000e+00> : vector<128x64xf32>
    %dot_general3A_73 = tpu.matmul %div3A_68, %get3A_71, %dot_general3A_72 {dimension_numbers = #tpu.dot_dimension_numbers<[1], [0], [0], [1], [0, 0, 1, 1], [], []>, transpose_lhs_hint = false} : vector<128x128xf32>, vector<128x64xf32>, vector<128x64xf32> -> vector<128x64xf32>
    %get3A_74 = arith.constant 0 : index
    %get3A_75 = arith.constant 0 : index
    %get3A_76 = vector.load %arg9[%get3A_74, %get3A_75] : memref<1x64xf32, #tpu.memory_space<vmem>>, vector<1x64xf32>
    %add3A_77 = vector.broadcast %get3A_76 : vector<1x64xf32> to vector<128x64xf32>
    %add3A_78 = arith.addf %dot_general3A_73, %add3A_77 : vector<128x64xf32>
    %max3A_79 = arith.constant 0.000000e+00 : f32
    %max3A_80 = vector.broadcast %max3A_79 : f32 to vector<128x64xf32>
    %max3A_81 = arith.maximumf %add3A_78, %max3A_80 : vector<128x64xf32>
    %get3A_82 = arith.constant 0 : index
    %get3A_83 = arith.constant 0 : index
    %get3A_84 = vector.load %arg10[%get3A_82, %get3A_83] : memref<64x32xf32, #tpu.memory_space<vmem>>, vector<64x32xf32>
    %dot_general3A_85 = arith.constant dense<0.000000e+00> : vector<128x32xf32>
    %dot_general3A_86 = tpu.matmul %max3A_81, %get3A_84, %dot_general3A_85 {dimension_numbers = #tpu.dot_dimension_numbers<[1], [0], [0], [1], [0, 0, 1, 1], [], []>, transpose_lhs_hint = false} : vector<128x64xf32>, vector<64x32xf32>, vector<128x32xf32> -> vector<128x32xf32>
    %get3A_87 = arith.constant 0 : index
    %get3A_88 = arith.constant 0 : index
    %get3A_89 = vector.load %arg11[%get3A_87, %get3A_88] : memref<1x32xf32, #tpu.memory_space<vmem>>, vector<1x32xf32>
    %add3A_90 = vector.broadcast %get3A_89 : vector<1x32xf32> to vector<128x32xf32>
    %add3A_91 = arith.addf %dot_general3A_86, %add3A_90 : vector<128x32xf32>
    %max3A_92 = arith.constant 0.000000e+00 : f32
    %max3A_93 = vector.broadcast %max3A_92 : f32 to vector<128x32xf32>
    %max3A_94 = arith.maximumf %add3A_91, %max3A_93 : vector<128x32xf32>
    %get3A_95 = arith.constant 0 : index
    %get3A_96 = arith.constant 0 : index
    %get3A_97 = vector.load %arg12[%get3A_95, %get3A_96] : memref<32x10xf32, #tpu.memory_space<vmem>>, vector<32x10xf32>
    %dot_general3A_98 = arith.constant dense<0.000000e+00> : vector<128x10xf32>
    %dot_general3A_99 = tpu.matmul %max3A_94, %get3A_97, %dot_general3A_98 {dimension_numbers = #tpu.dot_dimension_numbers<[1], [0], [0], [1], [0, 0, 1, 1], [], []>, transpose_lhs_hint = false} : vector<128x32xf32>, vector<32x10xf32>, vector<128x10xf32> -> vector<128x10xf32>
    %get3A_100 = arith.constant 0 : index
    %get3A_101 = arith.constant 0 : index
    %get3A_102 = vector.load %arg13[%get3A_100, %get3A_101] : memref<1x10xf32, #tpu.memory_space<vmem>>, vector<1x10xf32>
    %add3A_103 = vector.broadcast %get3A_102 : vector<1x10xf32> to vector<128x10xf32>
    %add3A_104 = arith.addf %dot_general3A_99, %add3A_103 : vector<128x10xf32>
    %swap3A = arith.constant 0 : index
    %swap3A_105 = arith.constant 0 : index
    %swap3A_106 = vector.load %arg14[%swap3A, %swap3A_105] : memref<128x10xf32, #tpu.memory_space<vmem>>, vector<128x10xf32>
    tpu.vector_store %arg14[%swap3A, %swap3A_105], %add3A_104 {strides = array<i32>} : memref<128x10xf32, #tpu.memory_space<vmem>>, vector<128x10xf32>,
    return
  }
}

</mosaic_0001>

<sc_bundles>
// kernel: kernel.12.cloned.1.call-start
scs
__scs_entry_jumppad:
0x0: {  	(pc) =	sbr.rel $0x88, $3  }
0x1: {  	(tag) =	ssettag $0x0;
	lr =	simm.s32 $0x1  }
0x2: {  	[smem:$0x3F86] =	sst lr;
	_ =	strace $0xD0000000  }
0x3: {  	_ = 	snop  }
0x4: {  	_ = 	snop  }
0x5: {  	_ = 	snop  }
0x6: {  	_ = 	snop  }
0x7: {  	_ = 	snop  }
__scs_overlays_trampoline_lowered:
0x8: {  	[smem:$0x3F95] =	sst s0  }
0x9: {  	[smem:$0x3F96] =	sst s1  }
0xa: {  	[smem:$0x3F97] =	sst s2  }
0xb: {  	[smem:$0x3F98] =	sst s3  }
0xc: {  	[smem:$0x3F99] =	sst s4  }
0xd: {  	[smem:$0x3F9A] =	sst s5  }
0xe: {  	[smem:$0x3F9B] =	sst s6  }
0xf: {  	[smem:$0x3F9C] =	sst s7  }
0x10: {  	[smem:$0x3F9D] =	sst s8  }
0x11: {  	[smem:$0x3F9E] =	sst s9;
	s0 =	simm.s32 @!p0 $0x0  }
0x12: {  	s1 =	sld [smem:$0x3F84];
	s0 =	simm.s32 @p0 $0x1  }
0x13: {  	[smem:$0x3F9F] =	sst s0;
	s0 =	simm.s32 @!p1 $0x0  }
0x14: {  	s2 =	sld [smem:$0x3F83];
	s0 =	simm.s32 @p1 $0x1  }
0x15: {  	[smem:$0x3FA0] =	sst s0;
	s0 =	simm.s32 @!p2 $0x0  }
0x16: {  	s3 =	sld [smem:$0x3FDB];
	s0 =	simm.s32 @p2 $0x1  }
0x17: {  	s4 =	simm.s32 $0x1BF5;
	[smem:$0x3FA2] =	sst s0  }
0x18: {  	s0 =	sld [smem:$0x3F85];
	_ =	swait.ge [sflag:s4], $0x0  }
0x19: {  	s7 =	sld [smem:$0x3F86]  }
0x1a: {  	s8 =	sadd.s32 $0xFFFFE003, lr  }
0x1b: {  	s9 =	sadd.s32 $0xFFFFFEF7, lr;
	s5 =	simm.s32 $0xFFFFFFFF;
	p2 =	slt.u32 s8, $0xFFFFF086  }
0x1c: {  	p1 =	slt.u32 s9, $0xF7A;
	s5 =	simm.s32 @!p2 $0x0  }
0x1d: {  	s5 =	simm.s32 @p1 $0x1;
	p0 =	seq.s32 s7, s2  }
0x1e: {  	s7 =	smul.u32 @!p0 $0xF7A, s2;
	p2 =	seq.s32 @!p0 s5, $0x0  }
0x1f: {  	s9 =	smul.u32 $0xF7A, s1;
	s8 =	simm.s32 @!p0 $0x1BF5;
	p2 =	por !p2, p0  }
0x20: {  	[sflag:s8] =	ssyncset.s32 @!p0 $0xFFFFF086;
	s6 =	sadd.s32 @!p0 s3, s7;
	s7 =	simm.s32 @!p0 $0x108  }
0x21: {  	s3 =	sadd.s32 s3, s9;
	s6 =	sadd.s32 @!p0 $0x88, s6;
	s7 =	simm.s32 @p2 $0x1082  }
0x22: {  	[simem:s7], [sflag:s8] =	dma.local @!p0 [hbm:s6], $0xF7A  }
0x23: {  	s9 =	sor.u32 $0xD0000000, s2;
	s6 =	simm.s32 $0x108;
	_ =	swait.ge @!p0 [sflag:s8], $0x0  }
0x24: {  	s3 =	sadd.s32 $0x88, s3;
	s6 =	simm.s32 @!p1 $0x1082;
	[sflag:s4] =	ssyncset.s32 $0xFFFFF086  }
0x25: {  	[simem:s6], [sflag:s4] =	dma.local [hbm:s3], $0xF7A  }
0x26: {  	[smem:$0x3F86] =	sst s1;
	(tag) =	ssettag s2;
	_ =	strace s9  }
0x27: {  	s1 =	sld [smem:$0x3F96]  }
0x28: {  	s2 =	sld [smem:$0x3F97]  }
0x29: {  	s4 =	sld [smem:$0x3F99]  }
0x2a: {  	p0 =	seq.s32 s5, $0x0;
	s5 =	sld [smem:$0x3F9A]  }
0x2b: {  	s6 =	sld [smem:$0x3F9B]  }
0x2c: {  	s7 =	sld [smem:$0x3F9C]  }
0x2d: {  	s3 =	simm.s32 $0x108;
	s8 =	sld [smem:$0x3F9D]  }
0x2e: {  	s3 =	simm.s32 @!p0 $0x1082;
	s9 =	sld [smem:$0x3F9E]  }
0x2f: {  	lr =	sadd.s32 s0, s3;
	s0 =	sld [smem:$0x3F95]  }
0x30: {  	s3 =	sld [smem:$0x3F98]  }
0x31: {  	[smem:$0x3FA1] =	sst s10  }
0x32: {  	s10 =	sld [smem:$0x3F9F];
	_ =	sdelay $0x3  }
0x33: {  	p0 =	seq.s32 s10, $0x1;
	s10 =	sld [smem:$0x3FA1];
	_ =	sdelay $0x3  }
0x34: {  	[smem:$0x3FA1] =	sst s10  }
0x35: {  	s10 =	sld [smem:$0x3FA0];
	_ =	sdelay $0x3  }
0x36: {  	p1 =	seq.s32 s10, $0x1;
	s10 =	sld [smem:$0x3FA1];
	_ =	sdelay $0x3  }
0x37: {  	[smem:$0x3FA1] =	sst s10  }
0x38: {  	s10 =	sld [smem:$0x3FA2]  }
0x39: {  	_ = 	snop;
	(pc) =	sbr.ind lr, $3  }
0x3a: {  	_ = 	snop  }
0x3b: {  	_ = 	snop  }
0x3c: {  	p2 =	seq.s32 s10, $0x1;
	s10 =	sld [smem:$0x3FA1]  }
0x3d: {  	_ =	shalt  }
0x3e: {  	_ =	shalt  }
0x3f: {  	_ =	shalt  }
0x40: {  	_ =	shalt  }
0x41: {  	_ =	shalt  }
0x42: {  	_ =	shalt  }
0x43: {  	_ =	shalt  }
0x44: {  	_ =	shalt  }
0x45: {  	_ =	shalt  }
0x46: {  	_ =	shalt  }
0x47: {  	_ =	shalt  }
0x48: {  	_ =	shalt  }
0x49: {  	_ =	shalt  }
0x4a: {  	_ =	shalt  }
0x4b: {  	_ =	shalt  }
0x4c: {  	_ =	shalt  }
0x4d: {  	_ =	shalt  }
0x4e: {  	_ =	shalt  }
0x4f: {  	_ =	shalt  }
0x50: {  	_ =	shalt  }
0x51: {  	_ =	shalt  }
0x52: {  	_ =	shalt  }
0x53: {  	_ =	shalt  }
0x54: {  	_ =	shalt  }
0x55: {  	_ =	shalt  }
0x56: {  	_ =	shalt  }
0x57: {  	_ =	shalt  }
0x58: {  	_ =	shalt  }
0x59: {  	_ =	shalt  }
0x5a: {  	_ =	shalt  }
0x5b: {  	_ =	shalt  }
0x5c: {  	_ =	shalt  }
0x5d: {  	_ =	shalt  }
0x5e: {  	_ =	shalt  }
0x5f: {  	_ =	shalt  }
0x60: {  	_ =	shalt  }
0x61: {  	_ =	shalt  }
0x62: {  	_ =	shalt  }
0x63: {  	_ =	shalt  }
0x64: {  	_ =	shalt  }
0x65: {  	_ =	shalt  }
0x66: {  	_ =	shalt  }
0x67: {  	_ =	shalt  }
0x68: {  	_ =	shalt  }
0x69: {  	_ =	shalt  }
0x6a: {  	_ =	shalt  }
0x6b: {  	_ =	shalt  }
0x6c: {  	_ =	shalt  }
0x6d: {  	_ =	shalt  }
0x6e: {  	_ =	shalt  }
0x6f: {  	_ =	shalt  }
0x70: {  	_ =	shalt  }
0x71: {  	_ =	shalt  }
0x72: {  	_ =	shalt  }
0x73: {  	_ =	shalt  }
0x74: {  	_ =	shalt  }
0x75: {  	_ =	shalt  }
0x76: {  	_ =	shalt  }
0x77: {  	_ =	shalt  }
0x78: {  	_ =	shalt  }
0x79: {  	_ =	shalt  }
0x7a: {  	_ =	shalt  }
0x7b: {  	_ =	shalt  }
0x7c: {  	_ =	shalt  }
0x7d: {  	_ =	shalt  }
0x7e: {  	_ =	shalt  }
0x7f: {  	_ =	shalt  }
0x80: {  	_ =	shalt  }
0x81: {  	_ =	shalt  }
0x82: {  	_ =	shalt  }
0x83: {  	_ =	shalt  }
0x84: {  	_ =	shalt  }
0x85: {  	_ =	shalt  }
0x86: {  	_ =	shalt  }
0x87: {  	_ =	shalt  }
.Lfunc_end0:
.L_simem_size_0:
called_computation_lowered:
.L_overlay_start_0:
0x88: {  	s2 =	sld [smem:$0x3FD9]  }
0x89: {  	s3 =	sld [smem:$0x3FFE];
	_ =	sdelay $0x1  }
0x8a: {  	s1 =	srdreg.scid  }
0x8b: {  	s0 =	sand.u32 $0x1, s1  }
0x8c: {  	s16 =	sshll.u32 s0, $0xA;
	s2 =	sadd.s32 s3, s2  }
0x8d: {  	s2 =	sadd.s32 s2, s16  }
0x8e: {  	[smem:$0x3FAD] =	sst s2  }
0x8f: {  	_ = 	snop  }
0x90: {  	(tm) =	ssettm $0x1  }
0x91: {  	s17 =	sld [smem:$0x3FFB];
	_ =	sdelay $0x3  }
0x92: {  	_ =	strace s17  }
0x93: {  	s2 =	sld [smem:$0x3FFC];
	_ =	sdelay $0x3  }
0x94: {  	_ =	strace s2  }
0x95: {  	s2 =	sld [smem:$0x3FFD];
	_ =	sdelay $0x3  }
0x96: {  	_ =	strace s2  }
0x97: {  	_ =	strace $0x8FFFFFFF  }
0x98: {  	s18 =	sld [smem:$0x3FDB];
	_ =	sdelay $0x1  }
0x99: {  	s19 =	simm.s32 $_scs_section_size  }
0x9a: {  	s4 =	simm.s32 $_size__tile_overlayer_lowered;
	s5 =	simm.s32 $_tile_overlayer_lowered  }
0x9b: {  	s22 =	simm.s32 $0x1BFF;
	s21 =	sshll.u32 s5, $0x1;
	s2 =	sadd.s32 s19, s18  }
0x9c: {  	s6 =	simm.s32 $0x0;
	s20 =	sshll.u32 s4, $0x1;
	s4 =	sadd.s32 s21, s2  }
0x9d: {  	[timem:s6], [sflag:s22] =	dma.local [hbm:s4], s20  }
0x9e: {  	_ =	swait.ge [sflag:s22], s20  }
0x9f: {  	s3 =	ssub.s32 $0x0, s20;
	[sflag:s22] =	ssyncset.done $0x0  }
0xa0: {  	[sflag:s22] =	ssyncadd.s32 s3;
	_ =	sdelay $0x1  }
0xa1: {  	s23 =	simm.s32 $0x1B8B  }
0xa2: {  	_ =	swait.ge [sflag:s23], $0x1  }
0xa3: {  	[sflag:s23] =	ssyncset.done $0x0  }
0xa4: {  	s25 =	simm.s32 $0x1B8E;
	s24 =	sld [smem:$0x3FFE];
	[sflag:s23] =	ssyncadd.s32 $0xFFFFFFFF  }
0xa5: {  	s26 =	simm.s32 $execute0_lowered;
	[smem:$0x3FD2] =	sst s25  }
0xa6: {  	s4 =	sshll.u32 s26, $0x1;
	_ =	strace $0x80000046;
	[dreg:$0x1] =	wrdreg $0xFFFFFFFF  }
0xa7: {  	s28 =	simm.s32 $_size_execute0_lowered;
	s2 =	sadd.s32 s2, s4;
	[dreg:$0x0] =	wrdreg $0x0  }
0xa8: {  	s4 =	sshll.u32 s28, $0x1;
	[dreg:$0x2] =	wrdreg s2  }
0xa9: {  	[dreg:$0x3] =	wrdreg s4  }
0xaa: {  	[dreg:$0x4] =	wrdreg $0xC0  }
0xab: {  	_ =	task [dreg:s6], $0x5FFFF  }
0xac: {  	[dreg:$0x1] =	wrdreg $0xFFFFFFFF  }
0xad: {  	[dreg:$0x0] =	wrdreg $0x60  }
0xae: {  	[dreg:$0x2] =	wrdreg s24  }
0xaf: {  	[dreg:$0x3] =	wrdreg $0x78000  }
0xb0: {  	[dreg:$0x4] =	wrdreg $0x9  }
0xb1: {  	_ =	task.clear_ibuf [dreg:s6], $0x5FFFF;
	_ =	strace $0x90000046  }
0xb2: {  	s29 =	simm.s32 $0x9;
	_ =	strace $0x80000048  }
0xb3: {  	_ =	swait.ge [sflag:s29], $0x1  }
0xb4: {  	[sflag:s29] =	ssyncadd.s32 $0xFFFFFFFF  }
0xb5: {  	_ =	strace $0x90000048  }
0xb6: {  	_ =	sfence  }
0xb7: {  	s30 =	sld [smem:$0x0];
	_ =	sdelay $0x2  }
0xb8: {  	s31 =	sshll.u32 s1, $0xD;
	s1 =	sshrl.u32 s1, $0x2  }
0xb9: {  	s3 =	sand.u32 $0x4000, s31;
	s1 =	sadd.s32 s1, s30  }
0xba: {  	s0 =	sor.u32 s3, s0;
	s1 =	sshll.u32 s1, $0x11  }
0xbb: {  	s0 =	sor.u32 s1, s0  }
0xbc: {  	s0 =	sadd.s32 $0x8F2B, s0  }
0xbd: {  	[sflag:s0] =	ssyncadd.remote.s32 $0x1  }
0xbe: {  	_ =	sfence.sel $0xFFFF  }
0xbf: {  	[dreg:$0x0] =	wrdreg $0xFFFFFFFF;
	(pc) =	sbr.abs _section_cstart, $3  }
0xc0: {  	[dreg:$0x1] =	wrdreg $0xFFFFFFFF  }
0xc1: {  	_ =	task.clear_ibuf [dreg:s6], $0x2FFFF;
	_ =	strace $0x9FFFFFFF  }
0xc2: {  	(tm) =	ssettm $0x7FFFFFFF  }
0xc3: {  	_ =	shalt  }
tec
execute0_lowered:
.L_overlay_start_1:
0x0: {  	(tag) =	ssettag $0x1  }
0x1: {  	s0 =	srdreg.scid;
	s5 =	rddreg [dreg:$0x0]  }
0x2: {  	s2 =	rddreg [dreg:$0x1];
	s3 =	simm.s32 $0x0;
	s6 =	sand.u32 $0x1, s0  }
0x3: {  	s13 =	simm.s32 $0x3800;
	s0 =	stileid.u32;
	s7 =	smul.u32 $0x13C000, s6  }
0x4: {  	s14 =	simm.s32 $0x0;
	[smem:$0x7FF] =	sst s3;
	s8 =	smul.u32 $0x13C00, s0  }
0x5: {  	s1 =	sshll.u32 s6, $0x4;
	s28 =	smul.u32 $0x4F000, s0;
	s10 =	ssub.s32 $0x2, s6  }
0x6: {  	s31 =	sshll.u32 s0, $0x6;
	p0 =	seq.s32 s6, $0x0;
	s6 =	simm.s32 $0x70  }
0x7: {  	s1 =	sor.u32 s0, s1;
	s29 =	sshrl.u32 s10, $0x1;
	s6 =	simm.s32 @!p0 $0x30  }
0x8: {  	s4 =	smul.u32 $0x700, s1;
	s1 =	rddreg [dreg:$0x2];
	_ =	strace $0x80000047  }
0x9: {  	s7 =	sadd.s32 s8, s7;
	s30 =	sshrl.u32 s28, $0x2;
	s10 =	ssub.s32 s10, s29  }
0xa: {  	s7 =	sshrl.u32 s7, $0x3;
	s12 =	sadd.s32 s30, s2;
	s9 =	sadd.s32 s4, s5  }
0xb: {  	s4 =	sadd.s32 $0x24600, s5;
	s11 =	sadd.s32 s7, s5;
	s5 =	sor.u32 $0x1C01, s31  }
0xc: {  	s7 =	sadd.s32 $0x16600, s9;
	s8 =	sadd.s32 $0x26E00, s11;
	s9 =	smax.u32 s10, $0x1  }
0xd: {  	v0 =	vimm.f32 $1.000000000e+00;
	s10 =	sshrl.u32 s12, $0x3;
	s11 =	simm.s32 $0x1;
	s12 =	simm.s32 $0x80  }
.LBB2_1:
0xe: {  	[spmem:s10], [sflag:s5] =	dma.local [hbm:s4], $0x2780  }
0xf: {  	_ =	swait.ge [sflag:s11], $0x2780  }
0x10: {  	[sflag:s11] =	ssyncset.done $0x0  }
0x11: {  	[sflag:s11] =	ssyncadd.s32 $0xFFFFD880  }
0x12: {  	[tilespmem:s3], [sflag:$0x1] =	stream.linear.gather [hbm4b:s7+s3], $0x3800, $0x38;
	[tilespmem:$0x9F80] =	vst v63  }
0x13: {  	_ =	swait.ge [sflag:s11], $0x3800  }
0x14: {  	[sflag:s11] =	ssyncset.done $0x0  }
0x15: {  	s15 =	simm.s32 $0x200;
	s16 =	simm.s32 $0x0;
	[sflag:s11] =	ssyncadd.s32 $0xFFFFC800  }
.LBB2_2:
0x16: {  	p0 =	sne.s32 s15, $0xFE00;
	[tilespmem:s16+$0x3800] =	vst v0;
	s16 =	smov.u32 s15;
	s15 =	sadd.s32 $0x200, s15  }
.Ltmp0:
0x17: {  	(pc) =	sbr.rel @p0 .LBB2_2-.Ltmp0, $2  }
0x18: {  	_ =	sdelay $0x2  }
0x19: {  	s16 =	sshra.s32 s16, $0x2  }
0x1a: {  	p0 =	sne.s32 s6, $0x1  }
.Ltmp1:
0x1b: {  	[tilespmem:s16+$0x3800] =	vst v0;
	(pc) =	sbr.rel @!p0 .LBB2_5-.Ltmp1, $4  }
0x1c: {  	s15 =	simm.s32 $0x0;
	[bflag:$0x0] =	sbarrier.arrive $0xFFFF  }
0x1d: {  	[spmem:s2] =	stream.indirect.scatter.add.f32 [tilespmem:s13], [sflag:$0x1], $0x10, s15, s12, $0xb8;
	[tilespmem:$0x9F80] =	vst v63  }
0x1e: {  	_ =	swait.ge [sflag:s11], $0x800  }
0x1f: {  	s16 =	sadd.s32 $0xFFFFFFFF, s6;
	[sflag:s11] =	ssyncset.done $0x0  }
.LBB2_4:
0x20: {  	p0 =	sne.s32 s16, $0x1;
	[sflag:s11] =	ssyncadd.s32 $0xFFFFF800;
	s15 =	sadd.s32 $0x80, s15  }
.Ltmp2:
0x21: {  	s16 =	sadd.s32 $0xFFFFFFFF, s16;
	(pc) =	sbr.rel @p0 .LBB2_4-.Ltmp2, $4  }
0x22: {  	_ = 	snop  }
0x23: {  	[spmem:s2] =	stream.indirect.scatter.add.f32 [tilespmem:s13], [sflag:$0x1], $0x10, s15, s12, $0xb8;
	[tilespmem:$0x9F80] =	vst v63  }
0x24: {  	_ =	swait.ge [sflag:s11], $0x800  }
0x25: {  	[sflag:s11] =	ssyncset.done $0x0  }
.LBB2_5:
0x26: {  	s14 =	sadd.s32 $0x1, s14  }
0x27: {  	[sflag:s11] =	ssyncadd.s32 $0xFFFFF800;
	p0 =	sne.s32 s14, s9  }
.Ltmp3:
0x28: {  	[bflag:$0x0] =	sbarrier.arrive $0xFFFF;
	(pc) =	sbr.rel @p0 .LBB2_1-.Ltmp3, $4  }
0x29: {  	[hbm:s8], [sflag:s5] =	dma.local [spmem:s10], $0x2780  }
0x2a: {  	_ =	swait.ge [sflag:s11], $0x2780  }
0x2b: {  	[sflag:s11] =	ssyncset.done $0x0  }
0x2c: {  	[sflag:s11] =	ssyncadd.s32 $0xFFFFD880  }
0x2d: {  	_ =	sfence.sel $0x180000  }
0x2e: {  	[bflag:$0x0] =	sbarrier.arrive $0xFFFF  }
0x2f: {  	p0 =	sne.s32 s0, $0x0;
	_ =	strace $0x90000047  }
0x30: {  	s0 =	sadd.s32 @!p0 $0x100000, s1;
	[bflag:$0x2] =	sbarrier.arrive $0xFFFF  }
0x31: {  	[sflag:s0] =	ssyncadd.tile.s32 @!p0 $0x1;
	_ =	shalt  }
.Lfunc_end2:
_tile_overlayer_lowered:
.L_overlay_start_2:
0x32: {  	(tag) =	ssettag $0x2  }
0x33: {  	s0 =	rddreg [dreg:$0x0];
	s2 =	stileid.u32  }
0x34: {  	s1 =	rddreg [dreg:$0x1];
	p0 =	sne.s32 s2, $0x0  }
0x35: {  	s3 =	rddreg [dreg:$0x2];
	[bflag:$0x3] =	sbarrier.arrive $0xFFFF;
	s2 =	simm.s32 @!p0 $0x1C01  }
0x36: {  	[timem:s3], [sflag:s2] =	dma.local @!p0 [hbm:s0], s1  }
0x37: {  	s0 =	simm.s32 @!p0 $0x1  }
0x38: {  	_ =	swait.ge @!p0 [sflag:s0], s1  }
0x39: {  	s1 =	ssub.s32 @!p0 $0x0, s1;
	[sflag:s0] =	ssyncset.done @!p0 $0x0  }
0x3a: {  	[sflag:s0] =	ssyncadd.s32 @!p0 s1  }
0x3b: {  	[bflag:$0x3] =	sbarrier.arrive $0xFFFF  }
0x3c: {  	_ =	shalt  }

// kernel: kernel.15.cloned.1.call-start
scs
__scs_entry_jumppad:
0x0: {  	(pc) =	sbr.rel $0x88, $3  }
0x1: {  	(tag) =	ssettag $0x0;
	lr =	simm.s32 $0x1  }
0x2: {  	[smem:$0x3F86] =	sst lr;
	_ =	strace $0xD0000000  }
0x3: {  	_ = 	snop  }
0x4: {  	_ = 	snop  }
0x5: {  	_ = 	snop  }
0x6: {  	_ = 	snop  }
0x7: {  	_ = 	snop  }
__scs_overlays_trampoline_lowered:
0x8: {  	[smem:$0x3F95] =	sst s0  }
0x9: {  	[smem:$0x3F96] =	sst s1  }
0xa: {  	[smem:$0x3F97] =	sst s2  }
0xb: {  	[smem:$0x3F98] =	sst s3  }
0xc: {  	[smem:$0x3F99] =	sst s4  }
0xd: {  	[smem:$0x3F9A] =	sst s5  }
0xe: {  	[smem:$0x3F9B] =	sst s6  }
0xf: {  	[smem:$0x3F9C] =	sst s7  }
0x10: {  	[smem:$0x3F9D] =	sst s8  }
0x11: {  	[smem:$0x3F9E] =	sst s9;
	s0 =	simm.s32 @!p0 $0x0  }
0x12: {  	s1 =	sld [smem:$0x3F84];
	s0 =	simm.s32 @p0 $0x1  }
0x13: {  	[smem:$0x3F9F] =	sst s0;
	s0 =	simm.s32 @!p1 $0x0  }
0x14: {  	s2 =	sld [smem:$0x3F83];
	s0 =	simm.s32 @p1 $0x1  }
0x15: {  	[smem:$0x3FA0] =	sst s0;
	s0 =	simm.s32 @!p2 $0x0  }
0x16: {  	s3 =	sld [smem:$0x3FDB];
	s0 =	simm.s32 @p2 $0x1  }
0x17: {  	s4 =	simm.s32 $0x1BF5;
	[smem:$0x3FA2] =	sst s0  }
0x18: {  	s0 =	sld [smem:$0x3F85];
	_ =	swait.ge [sflag:s4], $0x0  }
0x19: {  	s7 =	sld [smem:$0x3F86]  }
0x1a: {  	s8 =	sadd.s32 $0xFFFFE003, lr  }
0x1b: {  	s9 =	sadd.s32 $0xFFFFFEF7, lr;
	s5 =	simm.s32 $0xFFFFFFFF;
	p2 =	slt.u32 s8, $0xFFFFF086  }
0x1c: {  	p1 =	slt.u32 s9, $0xF7A;
	s5 =	simm.s32 @!p2 $0x0  }
0x1d: {  	s5 =	simm.s32 @p1 $0x1;
	p0 =	seq.s32 s7, s2  }
0x1e: {  	s7 =	smul.u32 @!p0 $0xF7A, s2;
	p2 =	seq.s32 @!p0 s5, $0x0  }
0x1f: {  	s9 =	smul.u32 $0xF7A, s1;
	s8 =	simm.s32 @!p0 $0x1BF5;
	p2 =	por !p2, p0  }
0x20: {  	[sflag:s8] =	ssyncset.s32 @!p0 $0xFFFFF086;
	s6 =	sadd.s32 @!p0 s3, s7;
	s7 =	simm.s32 @!p0 $0x108  }
0x21: {  	s3 =	sadd.s32 s3, s9;
	s6 =	sadd.s32 @!p0 $0x88, s6;
	s7 =	simm.s32 @p2 $0x1082  }
0x22: {  	[simem:s7], [sflag:s8] =	dma.local @!p0 [hbm:s6], $0xF7A  }
0x23: {  	s9 =	sor.u32 $0xD0000000, s2;
	s6 =	simm.s32 $0x108;
	_ =	swait.ge @!p0 [sflag:s8], $0x0  }
0x24: {  	s3 =	sadd.s32 $0x88, s3;
	s6 =	simm.s32 @!p1 $0x1082;
	[sflag:s4] =	ssyncset.s32 $0xFFFFF086  }
0x25: {  	[simem:s6], [sflag:s4] =	dma.local [hbm:s3], $0xF7A  }
0x26: {  	[smem:$0x3F86] =	sst s1;
	(tag) =	ssettag s2;
	_ =	strace s9  }
0x27: {  	s1 =	sld [smem:$0x3F96]  }
0x28: {  	s2 =	sld [smem:$0x3F97]  }
0x29: {  	s4 =	sld [smem:$0x3F99]  }
0x2a: {  	p0 =	seq.s32 s5, $0x0;
	s5 =	sld [smem:$0x3F9A]  }
0x2b: {  	s6 =	sld [smem:$0x3F9B]  }
0x2c: {  	s7 =	sld [smem:$0x3F9C]  }
0x2d: {  	s3 =	simm.s32 $0x108;
	s8 =	sld [smem:$0x3F9D]  }
0x2e: {  	s3 =	simm.s32 @!p0 $0x1082;
	s9 =	sld [smem:$0x3F9E]  }
0x2f: {  	lr =	sadd.s32 s0, s3;
	s0 =	sld [smem:$0x3F95]  }
0x30: {  	s3 =	sld [smem:$0x3F98]  }
0x31: {  	[smem:$0x3FA1] =	sst s10  }
0x32: {  	s10 =	sld [smem:$0x3F9F];
	_ =	sdelay $0x3  }
0x33: {  	p0 =	seq.s32 s10, $0x1;
	s10 =	sld [smem:$0x3FA1];
	_ =	sdelay $0x3  }
0x34: {  	[smem:$0x3FA1] =	sst s10  }
0x35: {  	s10 =	sld [smem:$0x3FA0];
	_ =	sdelay $0x3  }
0x36: {  	p1 =	seq.s32 s10, $0x1;
	s10 =	sld [smem:$0x3FA1];
	_ =	sdelay $0x3  }
0x37: {  	[smem:$0x3FA1] =	sst s10  }
0x38: {  	s10 =	sld [smem:$0x3FA2]  }
0x39: {  	_ = 	snop;
	(pc) =	sbr.ind lr, $3  }
0x3a: {  	_ = 	snop  }
0x3b: {  	_ = 	snop  }
0x3c: {  	p2 =	seq.s32 s10, $0x1;
	s10 =	sld [smem:$0x3FA1]  }
0x3d: {  	_ =	shalt  }
0x3e: {  	_ =	shalt  }
0x3f: {  	_ =	shalt  }
0x40: {  	_ =	shalt  }
0x41: {  	_ =	shalt  }
0x42: {  	_ =	shalt  }
0x43: {  	_ =	shalt  }
0x44: {  	_ =	shalt  }
0x45: {  	_ =	shalt  }
0x46: {  	_ =	shalt  }
0x47: {  	_ =	shalt  }
0x48: {  	_ =	shalt  }
0x49: {  	_ =	shalt  }
0x4a: {  	_ =	shalt  }
0x4b: {  	_ =	shalt  }
0x4c: {  	_ =	shalt  }
0x4d: {  	_ =	shalt  }
0x4e: {  	_ =	shalt  }
0x4f: {  	_ =	shalt  }
0x50: {  	_ =	shalt  }
0x51: {  	_ =	shalt  }
0x52: {  	_ =	shalt  }
0x53: {  	_ =	shalt  }
0x54: {  	_ =	shalt  }
0x55: {  	_ =	shalt  }
0x56: {  	_ =	shalt  }
0x57: {  	_ =	shalt  }
0x58: {  	_ =	shalt  }
0x59: {  	_ =	shalt  }
0x5a: {  	_ =	shalt  }
0x5b: {  	_ =	shalt  }
0x5c: {  	_ =	shalt  }
0x5d: {  	_ =	shalt  }
0x5e: {  	_ =	shalt  }
0x5f: {  	_ =	shalt  }
0x60: {  	_ =	shalt  }
0x61: {  	_ =	shalt  }
0x62: {  	_ =	shalt  }
0x63: {  	_ =	shalt  }
0x64: {  	_ =	shalt  }
0x65: {  	_ =	shalt  }
0x66: {  	_ =	shalt  }
0x67: {  	_ =	shalt  }
0x68: {  	_ =	shalt  }
0x69: {  	_ =	shalt  }
0x6a: {  	_ =	shalt  }
0x6b: {  	_ =	shalt  }
0x6c: {  	_ =	shalt  }
0x6d: {  	_ =	shalt  }
0x6e: {  	_ =	shalt  }
0x6f: {  	_ =	shalt  }
0x70: {  	_ =	shalt  }
0x71: {  	_ =	shalt  }
0x72: {  	_ =	shalt  }
0x73: {  	_ =	shalt  }
0x74: {  	_ =	shalt  }
0x75: {  	_ =	shalt  }
0x76: {  	_ =	shalt  }
0x77: {  	_ =	shalt  }
0x78: {  	_ =	shalt  }
0x79: {  	_ =	shalt  }
0x7a: {  	_ =	shalt  }
0x7b: {  	_ =	shalt  }
0x7c: {  	_ =	shalt  }
0x7d: {  	_ =	shalt  }
0x7e: {  	_ =	shalt  }
0x7f: {  	_ =	shalt  }
0x80: {  	_ =	shalt  }
0x81: {  	_ =	shalt  }
0x82: {  	_ =	shalt  }
0x83: {  	_ =	shalt  }
0x84: {  	_ =	shalt  }
0x85: {  	_ =	shalt  }
0x86: {  	_ =	shalt  }
0x87: {  	_ =	shalt  }
.Lfunc_end0:
.L_simem_size_0:
called_computation.1_lowered:
.L_overlay_start_0:
0x88: {  	s2 =	sld [smem:$0x3FD9]  }
0x89: {  	s3 =	sld [smem:$0x3FFE];
	_ =	sdelay $0x1  }
0x8a: {  	s1 =	srdreg.scid  }
0x8b: {  	s0 =	sand.u32 $0x1, s1  }
0x8c: {  	s16 =	sshll.u32 s0, $0xA;
	s2 =	sadd.s32 s3, s2  }
0x8d: {  	s2 =	sadd.s32 s2, s16  }
0x8e: {  	[smem:$0x3FAD] =	sst s2  }
0x8f: {  	_ = 	snop  }
0x90: {  	(tm) =	ssettm $0x1  }
0x91: {  	s17 =	sld [smem:$0x3FFB];
	_ =	sdelay $0x3  }
0x92: {  	_ =	strace s17  }
0x93: {  	s2 =	sld [smem:$0x3FFC];
	_ =	sdelay $0x3  }
0x94: {  	_ =	strace s2  }
0x95: {  	s2 =	sld [smem:$0x3FFD];
	_ =	sdelay $0x3  }
0x96: {  	_ =	strace s2  }
0x97: {  	_ =	strace $0x8FFFFFFF  }
0x98: {  	s18 =	sld [smem:$0x3FDB];
	_ =	sdelay $0x1  }
0x99: {  	s19 =	simm.s32 $_scs_section_size  }
0x9a: {  	s4 =	simm.s32 $_size__tile_overlayer_lowered;
	s5 =	simm.s32 $_tile_overlayer_lowered  }
0x9b: {  	s22 =	simm.s32 $0x1BFF;
	s21 =	sshll.u32 s5, $0x1;
	s2 =	sadd.s32 s19, s18  }
0x9c: {  	s6 =	simm.s32 $0x0;
	s20 =	sshll.u32 s4, $0x1;
	s4 =	sadd.s32 s21, s2  }
0x9d: {  	[timem:s6], [sflag:s22] =	dma.local [hbm:s4], s20  }
0x9e: {  	_ =	swait.ge [sflag:s22], s20  }
0x9f: {  	s3 =	ssub.s32 $0x0, s20;
	[sflag:s22] =	ssyncset.done $0x0  }
0xa0: {  	[sflag:s22] =	ssyncadd.s32 s3;
	_ =	sdelay $0x1  }
0xa1: {  	s23 =	simm.s32 $0x1B8B  }
0xa2: {  	_ =	swait.ge [sflag:s23], $0x1  }
0xa3: {  	[sflag:s23] =	ssyncset.done $0x0  }
0xa4: {  	s25 =	simm.s32 $0x1B8E;
	s24 =	sld [smem:$0x3FFE];
	[sflag:s23] =	ssyncadd.s32 $0xFFFFFFFF  }
0xa5: {  	s26 =	simm.s32 $execute0_lowered;
	[smem:$0x3FD2] =	sst s25  }
0xa6: {  	s4 =	sshll.u32 s26, $0x1;
	_ =	strace $0x80000049;
	[dreg:$0x1] =	wrdreg $0xFFFFFFFF  }
0xa7: {  	s28 =	simm.s32 $_size_execute0_lowered;
	s2 =	sadd.s32 s2, s4;
	[dreg:$0x0] =	wrdreg $0x0  }
0xa8: {  	s4 =	sshll.u32 s28, $0x1;
	[dreg:$0x2] =	wrdreg s2  }
0xa9: {  	[dreg:$0x3] =	wrdreg s4  }
0xaa: {  	[dreg:$0x4] =	wrdreg $0xC0  }
0xab: {  	_ =	task [dreg:s6], $0x5FFFF  }
0xac: {  	[dreg:$0x1] =	wrdreg $0xFFFFFFFF  }
0xad: {  	[dreg:$0x0] =	wrdreg $0x60  }
0xae: {  	[dreg:$0x2] =	wrdreg s24  }
0xaf: {  	[dreg:$0x3] =	wrdreg $0xB0000  }
0xb0: {  	[dreg:$0x4] =	wrdreg $0x9  }
0xb1: {  	_ =	task.clear_ibuf [dreg:s6], $0x5FFFF;
	_ =	strace $0x90000049  }
0xb2: {  	s29 =	simm.s32 $0x9;
	_ =	strace $0x8000004B  }
0xb3: {  	_ =	swait.ge [sflag:s29], $0x1  }
0xb4: {  	[sflag:s29] =	ssyncadd.s32 $0xFFFFFFFF  }
0xb5: {  	_ =	strace $0x9000004B  }
0xb6: {  	_ =	sfence  }
0xb7: {  	s30 =	sld [smem:$0x0];
	_ =	sdelay $0x2  }
0xb8: {  	s31 =	sshll.u32 s1, $0xD;
	s1 =	sshrl.u32 s1, $0x2  }
0xb9: {  	s3 =	sand.u32 $0x4000, s31;
	s1 =	sadd.s32 s1, s30  }
0xba: {  	s0 =	sor.u32 s3, s0;
	s1 =	sshll.u32 s1, $0x11  }
0xbb: {  	s0 =	sor.u32 s1, s0  }
0xbc: {  	s0 =	sadd.s32 $0x8F2B, s0  }
0xbd: {  	[sflag:s0] =	ssyncadd.remote.s32 $0x1  }
0xbe: {  	_ =	sfence.sel $0xFFFF  }
0xbf: {  	[dreg:$0x0] =	wrdreg $0xFFFFFFFF;
	(pc) =	sbr.abs _section_cstart, $3  }
0xc0: {  	[dreg:$0x1] =	wrdreg $0xFFFFFFFF  }
0xc1: {  	_ =	task.clear_ibuf [dreg:s6], $0x2FFFF;
	_ =	strace $0x9FFFFFFF  }
0xc2: {  	(tm) =	ssettm $0x7FFFFFFF  }
0xc3: {  	_ =	shalt  }
tec
execute0_lowered:
.L_overlay_start_1:
0x0: {  	(tag) =	ssettag $0x1  }
0x1: {  	s0 =	srdreg.scid;
	s6 =	rddreg [dreg:$0x0]  }
0x2: {  	s2 =	rddreg [dreg:$0x1];
	s3 =	simm.s32 $0x0;
	s15 =	simm.s32 $0x7000  }
0x3: {  	s16 =	simm.s32 $0x1;
	s9 =	sand.u32 $0x1, s0;
	s0 =	stileid.u32  }
0x4: {  	s17 =	simm.s32 $0x0;
	[smem:$0x7FF] =	sst s3;
	s7 =	smul.u32 $0x13C000, s9  }
0x5: {  	s4 =	sadd.s32 $0x24600, s6;
	s1 =	sshll.u32 s9, $0x4;
	s8 =	smul.u32 $0x13C00, s0  }
0x6: {  	s28 =	ssub.s32 $0x2, s9;
	s11 =	smul.u32 $0x4F000, s0;
	s31 =	sshll.u32 s0, $0x6  }
0x7: {  	p0 =	seq.s32 s9, $0x0;
	s9 =	simm.s32 $0x70;
	s1 =	sor.u32 s0, s1  }
0x8: {  	s29 =	sshrl.u32 s28, $0x1;
	s9 =	simm.s32 @!p0 $0x30;
	s5 =	smul.u32 $0x700, s1  }
0x9: {  	s1 =	rddreg [dreg:$0x2];
	_ =	strace $0x8000004A;
	s26 =	sadd.s32 s8, s7  }
0xa: {  	s13 =	ssub.s32 s28, s29;
	s30 =	sshrl.u32 s11, $0x2;
	s7 =	sshrl.u32 s26, $0x3  }
0xb: {  	s14 =	sadd.s32 s30, s2;
	s11 =	smax.u32 s13, $0x1;
	s13 =	simm.s32 $0x2  }
0xc: {  	s10 =	sadd.s32 s5, s6;
	s5 =	sadd.s32 $0x72A00, s6;
	s12 =	sadd.s32 s7, s6  }
0xd: {  	s6 =	sor.u32 $0x1C02, s31;
	s7 =	sadd.s32 $0x8600, s10;
	s8 =	sadd.s32 $0x16600, s10  }
0xe: {  	s10 =	sadd.s32 $0x75200, s12;
	s12 =	sshrl.u32 s14, $0x3;
	s14 =	simm.s32 $0x80  }
.LBB2_1:
0xf: {  	[spmem:s12], [sflag:s6] =	dma.local [hbm:s5], $0x2780  }
0x10: {  	_ =	swait.ge [sflag:s13], $0x2780  }
0x11: {  	[sflag:s13] =	ssyncset.done $0x0  }
0x12: {  	[sflag:s13] =	ssyncadd.s32 $0xFFFFD880  }
0x13: {  	[tilespmem:s3], [sflag:$0x2] =	stream.linear.gather [hbm4b:s7+s3], $0x3800, $0x38;
	[tilespmem:$0x1EC00] =	vst v63  }
0x14: {  	_ =	swait.ge [sflag:s13], $0x3800  }
0x15: {  	[sflag:s13] =	ssyncset.done $0x0  }
0x16: {  	s18 =	simm.s32 $0x3800;
	[sflag:s13] =	ssyncadd.s32 $0xFFFFC800  }
0x17: {  	[tilespmem:s18], [sflag:$0x2] =	stream.linear.gather [hbm4b:s8+s3], $0x3800, $0x38;
	[tilespmem:$0x1EC00] =	vst v63  }
0x18: {  	_ =	swait.ge [sflag:s13], $0x3800  }
0x19: {  	[sflag:s13] =	ssyncset.done $0x0  }
0x1a: {  	[sflag:s13] =	ssyncadd.s32 $0xFFFFC800  }
0x1b: {  	[bflag:$0x0] =	sbarrier.arrive $0xFFFF  }
0x1c: {  	[tilespmem:s15], [sflag:$0x1] =	stream.indirect.gather [hbm4b:s4+s14], $0x80, s3, s14, $0xb8;
	[tilespmem:$0x1EC00] =	vst v63  }
0x1d: {  	p0 =	sne.s32 s9, $0x1;
	_ =	swait.ge [sflag:s16], $0x4000  }
.Ltmp0:
0x1e: {  	[sflag:s16] =	ssyncset.done $0x0;
	(pc) =	sbr.rel @!p0 .LBB2_3-.Ltmp0, $4  }
0x1f: {  	[sflag:s16] =	ssyncadd.s32 $0xFFFFC000  }
0x20: {  	[spmem:s2] =	stream.indirect.scatter.add.f32 [tilespmem:s15], [sflag:$0x2], $0x80, s18, s14, $0xb8;
	[tilespmem:$0x1EC00] =	vst v63  }
0x21: {  	_ =	swait.ge [sflag:s13], $0x4000  }
0x22: {  	s19 =	sadd.s32 $0xFFFFFFFF, s9;
	s20 =	simm.s32 $0x0;
	[sflag:s13] =	ssyncset.done $0x0  }
.LBB2_2:
0x23: {  	[sflag:s13] =	ssyncadd.s32 $0xFFFFC000;
	s20 =	sadd.s32 $0x80, s20;
	s18 =	sadd.s32 $0x80, s18  }
0x24: {  	[tilespmem:s15], [sflag:$0x1] =	stream.indirect.gather [hbm4b:s4+s14], $0x80, s20, s14, $0xb8;
	[tilespmem:$0x1EC00] =	vst v63  }
0x25: {  	p0 =	sne.s32 s19, $0x1;
	s19 =	sadd.s32 $0xFFFFFFFF, s19;
	_ =	swait.ge [sflag:s16], $0x4000  }
.Ltmp1:
0x26: {  	[sflag:s16] =	ssyncset.done $0x0;
	(pc) =	sbr.rel @p0 .LBB2_2-.Ltmp1, $4  }
0x27: {  	[sflag:s16] =	ssyncadd.s32 $0xFFFFC000  }
0x28: {  	[spmem:s2] =	stream.indirect.scatter.add.f32 [tilespmem:s15], [sflag:$0x2], $0x80, s18, s14, $0xb8;
	[tilespmem:$0x1EC00] =	vst v63  }
0x29: {  	_ =	swait.ge [sflag:s13], $0x4000  }
0x2a: {  	[sflag:s13] =	ssyncset.done $0x0  }
.LBB2_3:
0x2b: {  	s17 =	sadd.s32 $0x1, s17  }
0x2c: {  	[sflag:s13] =	ssyncadd.s32 $0xFFFFC000;
	p0 =	sne.s32 s17, s11  }
.Ltmp2:
0x2d: {  	[bflag:$0x0] =	sbarrier.arrive $0xFFFF;
	(pc) =	sbr.rel @p0 .LBB2_1-.Ltmp2, $4  }
0x2e: {  	[hbm:s10], [sflag:s6] =	dma.local [spmem:s12], $0x2780  }
0x2f: {  	_ =	swait.ge [sflag:s13], $0x2780  }
0x30: {  	[sflag:s13] =	ssyncset.done $0x0  }
0x31: {  	[sflag:s13] =	ssyncadd.s32 $0xFFFFD880  }
0x32: {  	_ =	sfence.sel $0x180000  }
0x33: {  	[bflag:$0x0] =	sbarrier.arrive $0xFFFF  }
0x34: {  	p0 =	sne.s32 s0, $0x0;
	_ =	strace $0x9000004A  }
0x35: {  	s0 =	sadd.s32 @!p0 $0x100000, s1;
	[bflag:$0x2] =	sbarrier.arrive $0xFFFF  }
0x36: {  	[sflag:s0] =	ssyncadd.tile.s32 @!p0 $0x1;
	_ =	shalt  }
.Lfunc_end2:
_tile_overlayer_lowered:
.L_overlay_start_2:
0x37: {  	(tag) =	ssettag $0x2  }
0x38: {  	s0 =	rddreg [dreg:$0x0];
	s2 =	stileid.u32  }
0x39: {  	s1 =	rddreg [dreg:$0x1];
	p0 =	sne.s32 s2, $0x0  }
0x3a: {  	s3 =	rddreg [dreg:$0x2];
	[bflag:$0x3] =	sbarrier.arrive $0xFFFF;
	s2 =	simm.s32 @!p0 $0x1C02  }
0x3b: {  	[timem:s3], [sflag:s2] =	dma.local @!p0 [hbm:s0], s1  }
0x3c: {  	s0 =	simm.s32 @!p0 $0x2  }
0x3d: {  	_ =	swait.ge @!p0 [sflag:s0], s1  }
0x3e: {  	s1 =	ssub.s32 @!p0 $0x0, s1;
	[sflag:s0] =	ssyncset.done @!p0 $0x0  }
0x3f: {  	[sflag:s0] =	ssyncadd.s32 @!p0 s1  }
0x40: {  	[bflag:$0x3] =	sbarrier.arrive $0xFFFF  }
0x41: {  	_ =	shalt  }

// kernel: kernel.18.cloned.1.call-start
scs
__scs_entry_jumppad:
0x0: {  	(pc) =	sbr.rel $0x88, $3  }
0x1: {  	(tag) =	ssettag $0x0;
	lr =	simm.s32 $0x1  }
0x2: {  	[smem:$0x3F86] =	sst lr;
	_ =	strace $0xD0000000  }
0x3: {  	_ = 	snop  }
0x4: {  	_ = 	snop  }
0x5: {  	_ = 	snop  }
0x6: {  	_ = 	snop  }
0x7: {  	_ = 	snop  }
__scs_overlays_trampoline_lowered:
0x8: {  	[smem:$0x3F95] =	sst s0  }
0x9: {  	[smem:$0x3F96] =	sst s1  }
0xa: {  	[smem:$0x3F97] =	sst s2  }
0xb: {  	[smem:$0x3F98] =	sst s3  }
0xc: {  	[smem:$0x3F99] =	sst s4  }
0xd: {  	[smem:$0x3F9A] =	sst s5  }
0xe: {  	[smem:$0x3F9B] =	sst s6  }
0xf: {  	[smem:$0x3F9C] =	sst s7  }
0x10: {  	[smem:$0x3F9D] =	sst s8  }
0x11: {  	[smem:$0x3F9E] =	sst s9;
	s0 =	simm.s32 @!p0 $0x0  }
0x12: {  	s1 =	sld [smem:$0x3F84];
	s0 =	simm.s32 @p0 $0x1  }
0x13: {  	[smem:$0x3F9F] =	sst s0;
	s0 =	simm.s32 @!p1 $0x0  }
0x14: {  	s2 =	sld [smem:$0x3F83];
	s0 =	simm.s32 @p1 $0x1  }
0x15: {  	[smem:$0x3FA0] =	sst s0;
	s0 =	simm.s32 @!p2 $0x0  }
0x16: {  	s3 =	sld [smem:$0x3FDB];
	s0 =	simm.s32 @p2 $0x1  }
0x17: {  	s4 =	simm.s32 $0x1BF5;
	[smem:$0x3FA2] =	sst s0  }
0x18: {  	s0 =	sld [smem:$0x3F85];
	_ =	swait.ge [sflag:s4], $0x0  }
0x19: {  	s7 =	sld [smem:$0x3F86]  }
0x1a: {  	s8 =	sadd.s32 $0xFFFFE003, lr  }
0x1b: {  	s9 =	sadd.s32 $0xFFFFFEF7, lr;
	s5 =	simm.s32 $0xFFFFFFFF;
	p2 =	slt.u32 s8, $0xFFFFF086  }
0x1c: {  	p1 =	slt.u32 s9, $0xF7A;
	s5 =	simm.s32 @!p2 $0x0  }
0x1d: {  	s5 =	simm.s32 @p1 $0x1;
	p0 =	seq.s32 s7, s2  }
0x1e: {  	s7 =	smul.u32 @!p0 $0xF7A, s2;
	p2 =	seq.s32 @!p0 s5, $0x0  }
0x1f: {  	s9 =	smul.u32 $0xF7A, s1;
	s8 =	simm.s32 @!p0 $0x1BF5;
	p2 =	por !p2, p0  }
0x20: {  	[sflag:s8] =	ssyncset.s32 @!p0 $0xFFFFF086;
	s6 =	sadd.s32 @!p0 s3, s7;
	s7 =	simm.s32 @!p0 $0x108  }
0x21: {  	s3 =	sadd.s32 s3, s9;
	s6 =	sadd.s32 @!p0 $0x88, s6;
	s7 =	simm.s32 @p2 $0x1082  }
0x22: {  	[simem:s7], [sflag:s8] =	dma.local @!p0 [hbm:s6], $0xF7A  }
0x23: {  	s9 =	sor.u32 $0xD0000000, s2;
	s6 =	simm.s32 $0x108;
	_ =	swait.ge @!p0 [sflag:s8], $0x0  }
0x24: {  	s3 =	sadd.s32 $0x88, s3;
	s6 =	simm.s32 @!p1 $0x1082;
	[sflag:s4] =	ssyncset.s32 $0xFFFFF086  }
0x25: {  	[simem:s6], [sflag:s4] =	dma.local [hbm:s3], $0xF7A  }
0x26: {  	[smem:$0x3F86] =	sst s1;
	(tag) =	ssettag s2;
	_ =	strace s9  }
0x27: {  	s1 =	sld [smem:$0x3F96]  }
0x28: {  	s2 =	sld [smem:$0x3F97]  }
0x29: {  	s4 =	sld [smem:$0x3F99]  }
0x2a: {  	p0 =	seq.s32 s5, $0x0;
	s5 =	sld [smem:$0x3F9A]  }
0x2b: {  	s6 =	sld [smem:$0x3F9B]  }
0x2c: {  	s7 =	sld [smem:$0x3F9C]  }
0x2d: {  	s3 =	simm.s32 $0x108;
	s8 =	sld [smem:$0x3F9D]  }
0x2e: {  	s3 =	simm.s32 @!p0 $0x1082;
	s9 =	sld [smem:$0x3F9E]  }
0x2f: {  	lr =	sadd.s32 s0, s3;
	s0 =	sld [smem:$0x3F95]  }
0x30: {  	s3 =	sld [smem:$0x3F98]  }
0x31: {  	[smem:$0x3FA1] =	sst s10  }
0x32: {  	s10 =	sld [smem:$0x3F9F];
	_ =	sdelay $0x3  }
0x33: {  	p0 =	seq.s32 s10, $0x1;
	s10 =	sld [smem:$0x3FA1];
	_ =	sdelay $0x3  }
0x34: {  	[smem:$0x3FA1] =	sst s10  }
0x35: {  	s10 =	sld [smem:$0x3FA0];
	_ =	sdelay $0x3  }
0x36: {  	p1 =	seq.s32 s10, $0x1;
	s10 =	sld [smem:$0x3FA1];
	_ =	sdelay $0x3  }
0x37: {  	[smem:$0x3FA1] =	sst s10  }
0x38: {  	s10 =	sld [smem:$0x3FA2]  }
0x39: {  	_ = 	snop;
	(pc) =	sbr.ind lr, $3  }
0x3a: {  	_ = 	snop  }
0x3b: {  	_ = 	snop  }
0x3c: {  	p2 =	seq.s32 s10, $0x1;
	s10 =	sld [smem:$0x3FA1]  }
0x3d: {  	_ =	shalt  }
0x3e: {  	_ =	shalt  }
0x3f: {  	_ =	shalt  }
0x40: {  	_ =	shalt  }
0x41: {  	_ =	shalt  }
0x42: {  	_ =	shalt  }
0x43: {  	_ =	shalt  }
0x44: {  	_ =	shalt  }
0x45: {  	_ =	shalt  }
0x46: {  	_ =	shalt  }
0x47: {  	_ =	shalt  }
0x48: {  	_ =	shalt  }
0x49: {  	_ =	shalt  }
0x4a: {  	_ =	shalt  }
0x4b: {  	_ =	shalt  }
0x4c: {  	_ =	shalt  }
0x4d: {  	_ =	shalt  }
0x4e: {  	_ =	shalt  }
0x4f: {  	_ =	shalt  }
0x50: {  	_ =	shalt  }
0x51: {  	_ =	shalt  }
0x52: {  	_ =	shalt  }
0x53: {  	_ =	shalt  }
0x54: {  	_ =	shalt  }
0x55: {  	_ =	shalt  }
0x56: {  	_ =	shalt  }
0x57: {  	_ =	shalt  }
0x58: {  	_ =	shalt  }
0x59: {  	_ =	shalt  }
0x5a: {  	_ =	shalt  }
0x5b: {  	_ =	shalt  }
0x5c: {  	_ =	shalt  }
0x5d: {  	_ =	shalt  }
0x5e: {  	_ =	shalt  }
0x5f: {  	_ =	shalt  }
0x60: {  	_ =	shalt  }
0x61: {  	_ =	shalt  }
0x62: {  	_ =	shalt  }
0x63: {  	_ =	shalt  }
0x64: {  	_ =	shalt  }
0x65: {  	_ =	shalt  }
0x66: {  	_ =	shalt  }
0x67: {  	_ =	shalt  }
0x68: {  	_ =	shalt  }
0x69: {  	_ =	shalt  }
0x6a: {  	_ =	shalt  }
0x6b: {  	_ =	shalt  }
0x6c: {  	_ =	shalt  }
0x6d: {  	_ =	shalt  }
0x6e: {  	_ =	shalt  }
0x6f: {  	_ =	shalt  }
0x70: {  	_ =	shalt  }
0x71: {  	_ =	shalt  }
0x72: {  	_ =	shalt  }
0x73: {  	_ =	shalt  }
0x74: {  	_ =	shalt  }
0x75: {  	_ =	shalt  }
0x76: {  	_ =	shalt  }
0x77: {  	_ =	shalt  }
0x78: {  	_ =	shalt  }
0x79: {  	_ =	shalt  }
0x7a: {  	_ =	shalt  }
0x7b: {  	_ =	shalt  }
0x7c: {  	_ =	shalt  }
0x7d: {  	_ =	shalt  }
0x7e: {  	_ =	shalt  }
0x7f: {  	_ =	shalt  }
0x80: {  	_ =	shalt  }
0x81: {  	_ =	shalt  }
0x82: {  	_ =	shalt  }
0x83: {  	_ =	shalt  }
0x84: {  	_ =	shalt  }
0x85: {  	_ =	shalt  }
0x86: {  	_ =	shalt  }
0x87: {  	_ =	shalt  }
.Lfunc_end0:
.L_simem_size_0:
called_computation.2_lowered:
.L_overlay_start_0:
0x88: {  	s2 =	sld [smem:$0x3FD9]  }
0x89: {  	s3 =	sld [smem:$0x3FFE];
	_ =	sdelay $0x1  }
0x8a: {  	s1 =	srdreg.scid  }
0x8b: {  	s0 =	sand.u32 $0x1, s1  }
0x8c: {  	s16 =	sshll.u32 s0, $0xA;
	s2 =	sadd.s32 s3, s2  }
0x8d: {  	s2 =	sadd.s32 s2, s16  }
0x8e: {  	[smem:$0x3FAD] =	sst s2  }
0x8f: {  	_ = 	snop  }
0x90: {  	(tm) =	ssettm $0x1  }
0x91: {  	s17 =	sld [smem:$0x3FFB];
	_ =	sdelay $0x3  }
0x92: {  	_ =	strace s17  }
0x93: {  	s2 =	sld [smem:$0x3FFC];
	_ =	sdelay $0x3  }
0x94: {  	_ =	strace s2  }
0x95: {  	s2 =	sld [smem:$0x3FFD];
	_ =	sdelay $0x3  }
0x96: {  	_ =	strace s2  }
0x97: {  	_ =	strace $0x8FFFFFFF  }
0x98: {  	s18 =	sld [smem:$0x3FDB];
	_ =	sdelay $0x1  }
0x99: {  	s19 =	simm.s32 $_scs_section_size  }
0x9a: {  	s4 =	simm.s32 $_size__tile_overlayer_lowered;
	s5 =	simm.s32 $_tile_overlayer_lowered  }
0x9b: {  	s22 =	simm.s32 $0x1BFF;
	s21 =	sshll.u32 s5, $0x1;
	s2 =	sadd.s32 s19, s18  }
0x9c: {  	s6 =	simm.s32 $0x0;
	s20 =	sshll.u32 s4, $0x1;
	s4 =	sadd.s32 s21, s2  }
0x9d: {  	[timem:s6], [sflag:s22] =	dma.local [hbm:s4], s20  }
0x9e: {  	_ =	swait.ge [sflag:s22], s20  }
0x9f: {  	s3 =	ssub.s32 $0x0, s20;
	[sflag:s22] =	ssyncset.done $0x0  }
0xa0: {  	[sflag:s22] =	ssyncadd.s32 s3;
	_ =	sdelay $0x1  }
0xa1: {  	s23 =	simm.s32 $0x1B8B  }
0xa2: {  	_ =	swait.ge [sflag:s23], $0x1  }
0xa3: {  	[sflag:s23] =	ssyncset.done $0x0  }
0xa4: {  	s25 =	simm.s32 $0x1B8E;
	s24 =	sld [smem:$0x3FFE];
	[sflag:s23] =	ssyncadd.s32 $0xFFFFFFFF  }
0xa5: {  	s26 =	simm.s32 $execute0_lowered;
	[smem:$0x3FD2] =	sst s25  }
0xa6: {  	s4 =	sshll.u32 s26, $0x1;
	_ =	strace $0x8000004C;
	[dreg:$0x1] =	wrdreg $0xFFFFFFFF  }
0xa7: {  	s28 =	simm.s32 $_size_execute0_lowered;
	s2 =	sadd.s32 s2, s4;
	[dreg:$0x0] =	wrdreg $0x0  }
0xa8: {  	s4 =	sshll.u32 s28, $0x1;
	[dreg:$0x2] =	wrdreg s2  }
0xa9: {  	[dreg:$0x3] =	wrdreg s4  }
0xaa: {  	[dreg:$0x4] =	wrdreg $0xC0  }
0xab: {  	_ =	task [dreg:s6], $0x5FFFF  }
0xac: {  	[dreg:$0x1] =	wrdreg $0xFFFFFFFF  }
0xad: {  	[dreg:$0x0] =	wrdreg $0x60  }
0xae: {  	[dreg:$0x2] =	wrdreg s24  }
0xaf: {  	[dreg:$0x3] =	wrdreg $0xB0000  }
0xb0: {  	[dreg:$0x4] =	wrdreg $0x9  }
0xb1: {  	_ =	task.clear_ibuf [dreg:s6], $0x5FFFF;
	_ =	strace $0x9000004C  }
0xb2: {  	s29 =	simm.s32 $0x9;
	_ =	strace $0x8000004E  }
0xb3: {  	_ =	swait.ge [sflag:s29], $0x1  }
0xb4: {  	[sflag:s29] =	ssyncadd.s32 $0xFFFFFFFF  }
0xb5: {  	_ =	strace $0x9000004E  }
0xb6: {  	_ =	sfence  }
0xb7: {  	s30 =	sld [smem:$0x0];
	_ =	sdelay $0x2  }
0xb8: {  	s31 =	sshll.u32 s1, $0xD;
	s1 =	sshrl.u32 s1, $0x2  }
0xb9: {  	s3 =	sand.u32 $0x4000, s31;
	s1 =	sadd.s32 s1, s30  }
0xba: {  	s0 =	sor.u32 s3, s0;
	s1 =	sshll.u32 s1, $0x11  }
0xbb: {  	s0 =	sor.u32 s1, s0  }
0xbc: {  	s0 =	sadd.s32 $0x8F2B, s0  }
0xbd: {  	[sflag:s0] =	ssyncadd.remote.s32 $0x1  }
0xbe: {  	_ =	sfence.sel $0xFFFF  }
0xbf: {  	[dreg:$0x0] =	wrdreg $0xFFFFFFFF;
	(pc) =	sbr.abs _section_cstart, $3  }
0xc0: {  	[dreg:$0x1] =	wrdreg $0xFFFFFFFF  }
0xc1: {  	_ =	task.clear_ibuf [dreg:s6], $0x2FFFF;
	_ =	strace $0x9FFFFFFF  }
0xc2: {  	(tm) =	ssettm $0x7FFFFFFF  }
0xc3: {  	_ =	shalt  }
tec
execute0_lowered:
.L_overlay_start_1:
0x0: {  	(tag) =	ssettag $0x1  }
0x1: {  	s0 =	srdreg.scid;
	s6 =	rddreg [dreg:$0x0]  }
0x2: {  	s2 =	rddreg [dreg:$0x1];
	s3 =	simm.s32 $0x0;
	s15 =	simm.s32 $0x7000  }
0x3: {  	s16 =	simm.s32 $0x1;
	s9 =	sand.u32 $0x1, s0;
	s0 =	stileid.u32  }
0x4: {  	s17 =	simm.s32 $0x0;
	[smem:$0x7FF] =	sst s3;
	s7 =	smul.u32 $0x13C000, s9  }
0x5: {  	s4 =	sadd.s32 $0x24600, s6;
	s1 =	sshll.u32 s9, $0x4;
	s8 =	smul.u32 $0x13C00, s0  }
0x6: {  	s28 =	ssub.s32 $0x2, s9;
	s11 =	smul.u32 $0x4F000, s0;
	s31 =	sshll.u32 s0, $0x6  }
0x7: {  	p0 =	seq.s32 s9, $0x0;
	s9 =	simm.s32 $0x70;
	s1 =	sor.u32 s0, s1  }
0x8: {  	s29 =	sshrl.u32 s28, $0x1;
	s9 =	simm.s32 @!p0 $0x30;
	s5 =	smul.u32 $0x700, s1  }
0x9: {  	s1 =	rddreg [dreg:$0x2];
	_ =	strace $0x8000004D;
	s26 =	sadd.s32 s8, s7  }
0xa: {  	s13 =	ssub.s32 s28, s29;
	s30 =	sshrl.u32 s11, $0x2;
	s7 =	sshrl.u32 s26, $0x3  }
0xb: {  	s14 =	sadd.s32 s30, s2;
	s11 =	smax.u32 s13, $0x1;
	s13 =	simm.s32 $0x2  }
0xc: {  	s10 =	sadd.s32 s5, s6;
	s5 =	sadd.s32 $0x72A00, s6;
	s12 =	sadd.s32 s7, s6  }
0xd: {  	s6 =	sor.u32 $0x1C02, s31;
	s7 =	sadd.s32 $0x8600, s10;
	s8 =	sadd.s32 $0x16600, s10  }
0xe: {  	s10 =	sadd.s32 $0x75200, s12;
	s12 =	sshrl.u32 s14, $0x3;
	s14 =	simm.s32 $0x80  }
.LBB2_1:
0xf: {  	[spmem:s12], [sflag:s6] =	dma.local [hbm:s5], $0x2780  }
0x10: {  	_ =	swait.ge [sflag:s13], $0x2780  }
0x11: {  	[sflag:s13] =	ssyncset.done $0x0  }
0x12: {  	[sflag:s13] =	ssyncadd.s32 $0xFFFFD880  }
0x13: {  	[tilespmem:s3], [sflag:$0x2] =	stream.linear.gather [hbm4b:s7+s3], $0x3800, $0x38;
	[tilespmem:$0x1EC00] =	vst v63  }
0x14: {  	_ =	swait.ge [sflag:s13], $0x3800  }
0x15: {  	[sflag:s13] =	ssyncset.done $0x0  }
0x16: {  	s18 =	simm.s32 $0x3800;
	[sflag:s13] =	ssyncadd.s32 $0xFFFFC800  }
0x17: {  	[tilespmem:s18], [sflag:$0x2] =	stream.linear.gather [hbm4b:s8+s3], $0x3800, $0x38;
	[tilespmem:$0x1EC00] =	vst v63  }
0x18: {  	_ =	swait.ge [sflag:s13], $0x3800  }
0x19: {  	[sflag:s13] =	ssyncset.done $0x0  }
0x1a: {  	[sflag:s13] =	ssyncadd.s32 $0xFFFFC800  }
0x1b: {  	[bflag:$0x0] =	sbarrier.arrive $0xFFFF  }
0x1c: {  	[tilespmem:s15], [sflag:$0x1] =	stream.indirect.gather [hbm4b:s4+s14], $0x80, s3, s14, $0xb8;
	[tilespmem:$0x1EC00] =	vst v63  }
0x1d: {  	p0 =	sne.s32 s9, $0x1;
	_ =	swait.ge [sflag:s16], $0x4000  }
.Ltmp0:
0x1e: {  	[sflag:s16] =	ssyncset.done $0x0;
	(pc) =	sbr.rel @!p0 .LBB2_3-.Ltmp0, $4  }
0x1f: {  	[sflag:s16] =	ssyncadd.s32 $0xFFFFC000  }
0x20: {  	[spmem:s2] =	stream.indirect.scatter.add.f32 [tilespmem:s15], [sflag:$0x2], $0x80, s18, s14, $0xb8;
	[tilespmem:$0x1EC00] =	vst v63  }
0x21: {  	_ =	swait.ge [sflag:s13], $0x4000  }
0x22: {  	s19 =	sadd.s32 $0xFFFFFFFF, s9;
	s20 =	simm.s32 $0x0;
	[sflag:s13] =	ssyncset.done $0x0  }
.LBB2_2:
0x23: {  	[sflag:s13] =	ssyncadd.s32 $0xFFFFC000;
	s20 =	sadd.s32 $0x80, s20;
	s18 =	sadd.s32 $0x80, s18  }
0x24: {  	[tilespmem:s15], [sflag:$0x1] =	stream.indirect.gather [hbm4b:s4+s14], $0x80, s20, s14, $0xb8;
	[tilespmem:$0x1EC00] =	vst v63  }
0x25: {  	p0 =	sne.s32 s19, $0x1;
	s19 =	sadd.s32 $0xFFFFFFFF, s19;
	_ =	swait.ge [sflag:s16], $0x4000  }
.Ltmp1:
0x26: {  	[sflag:s16] =	ssyncset.done $0x0;
	(pc) =	sbr.rel @p0 .LBB2_2-.Ltmp1, $4  }
0x27: {  	[sflag:s16] =	ssyncadd.s32 $0xFFFFC000  }
0x28: {  	[spmem:s2] =	stream.indirect.scatter.add.f32 [tilespmem:s15], [sflag:$0x2], $0x80, s18, s14, $0xb8;
	[tilespmem:$0x1EC00] =	vst v63  }
0x29: {  	_ =	swait.ge [sflag:s13], $0x4000  }
0x2a: {  	[sflag:s13] =	ssyncset.done $0x0  }
.LBB2_3:
0x2b: {  	s17 =	sadd.s32 $0x1, s17  }
0x2c: {  	[sflag:s13] =	ssyncadd.s32 $0xFFFFC000;
	p0 =	sne.s32 s17, s11  }
.Ltmp2:
0x2d: {  	[bflag:$0x0] =	sbarrier.arrive $0xFFFF;
	(pc) =	sbr.rel @p0 .LBB2_1-.Ltmp2, $4  }
0x2e: {  	[hbm:s10], [sflag:s6] =	dma.local [spmem:s12], $0x2780  }
0x2f: {  	_ =	swait.ge [sflag:s13], $0x2780  }
0x30: {  	[sflag:s13] =	ssyncset.done $0x0  }
0x31: {  	[sflag:s13] =	ssyncadd.s32 $0xFFFFD880  }
0x32: {  	_ =	sfence.sel $0x180000  }
0x33: {  	[bflag:$0x0] =	sbarrier.arrive $0xFFFF  }
0x34: {  	p0 =	sne.s32 s0, $0x0;
	_ =	strace $0x9000004D  }
0x35: {  	s0 =	sadd.s32 @!p0 $0x100000, s1;
	[bflag:$0x2] =	sbarrier.arrive $0xFFFF  }
0x36: {  	[sflag:s0] =	ssyncadd.tile.s32 @!p0 $0x1;
	_ =	shalt  }
.Lfunc_end2:
_tile_overlayer_lowered:
.L_overlay_start_2:
0x37: {  	(tag) =	ssettag $0x2  }
0x38: {  	s0 =	rddreg [dreg:$0x0];
	s2 =	stileid.u32  }
0x39: {  	s1 =	rddreg [dreg:$0x1];
	p0 =	sne.s32 s2, $0x0  }
0x3a: {  	s3 =	rddreg [dreg:$0x2];
	[bflag:$0x3] =	sbarrier.arrive $0xFFFF;
	s2 =	simm.s32 @!p0 $0x1C02  }
0x3b: {  	[timem:s3], [sflag:s2] =	dma.local @!p0 [hbm:s0], s1  }
0x3c: {  	s0 =	simm.s32 @!p0 $0x2  }
0x3d: {  	_ =	swait.ge @!p0 [sflag:s0], s1  }
0x3e: {  	s1 =	ssub.s32 @!p0 $0x0, s1;
	[sflag:s0] =	ssyncset.done @!p0 $0x0  }
0x3f: {  	[sflag:s0] =	ssyncadd.s32 @!p0 s1  }
0x40: {  	[bflag:$0x3] =	sbarrier.arrive $0xFFFF  }
0x41: {  	_ =	shalt  }

// kernel: kernel.21.cloned.1.call-start
scs
__scs_entry_jumppad:
0x0: {  	(pc) =	sbr.rel $0x88, $3  }
0x1: {  	(tag) =	ssettag $0x0;
	lr =	simm.s32 $0x1  }
0x2: {  	[smem:$0x3F86] =	sst lr;
	_ =	strace $0xD0000000  }
0x3: {  	_ = 	snop  }
0x4: {  	_ = 	snop  }
0x5: {  	_ = 	snop  }
0x6: {  	_ = 	snop  }
0x7: {  	_ = 	snop  }
__scs_overlays_trampoline_lowered:
0x8: {  	[smem:$0x3F95] =	sst s0  }
0x9: {  	[smem:$0x3F96] =	sst s1  }
0xa: {  	[smem:$0x3F97] =	sst s2  }
0xb: {  	[smem:$0x3F98] =	sst s3  }
0xc: {  	[smem:$0x3F99] =	sst s4  }
0xd: {  	[smem:$0x3F9A] =	sst s5  }
0xe: {  	[smem:$0x3F9B] =	sst s6  }
0xf: {  	[smem:$0x3F9C] =	sst s7  }
0x10: {  	[smem:$0x3F9D] =	sst s8  }
0x11: {  	[smem:$0x3F9E] =	sst s9;
	s0 =	simm.s32 @!p0 $0x0  }
0x12: {  	s1 =	sld [smem:$0x3F84];
	s0 =	simm.s32 @p0 $0x1  }
0x13: {  	[smem:$0x3F9F] =	sst s0;
	s0 =	simm.s32 @!p1 $0x0  }
0x14: {  	s2 =	sld [smem:$0x3F83];
	s0 =	simm.s32 @p1 $0x1  }
0x15: {  	[smem:$0x3FA0] =	sst s0;
	s0 =	simm.s32 @!p2 $0x0  }
0x16: {  	s3 =	sld [smem:$0x3FDB];
	s0 =	simm.s32 @p2 $0x1  }
0x17: {  	s4 =	simm.s32 $0x1BF5;
	[smem:$0x3FA2] =	sst s0  }
0x18: {  	s0 =	sld [smem:$0x3F85];
	_ =	swait.ge [sflag:s4], $0x0  }
0x19: {  	s7 =	sld [smem:$0x3F86]  }
0x1a: {  	s8 =	sadd.s32 $0xFFFFE003, lr  }
0x1b: {  	s9 =	sadd.s32 $0xFFFFFEF7, lr;
	s5 =	simm.s32 $0xFFFFFFFF;
	p2 =	slt.u32 s8, $0xFFFFF086  }
0x1c: {  	p1 =	slt.u32 s9, $0xF7A;
	s5 =	simm.s32 @!p2 $0x0  }
0x1d: {  	s5 =	simm.s32 @p1 $0x1;
	p0 =	seq.s32 s7, s2  }
0x1e: {  	s7 =	smul.u32 @!p0 $0xF7A, s2;
	p2 =	seq.s32 @!p0 s5, $0x0  }
0x1f: {  	s9 =	smul.u32 $0xF7A, s1;
	s8 =	simm.s32 @!p0 $0x1BF5;
	p2 =	por !p2, p0  }
0x20: {  	[sflag:s8] =	ssyncset.s32 @!p0 $0xFFFFF086;
	s6 =	sadd.s32 @!p0 s3, s7;
	s7 =	simm.s32 @!p0 $0x108  }
0x21: {  	s3 =	sadd.s32 s3, s9;
	s6 =	sadd.s32 @!p0 $0x88, s6;
	s7 =	simm.s32 @p2 $0x1082  }
0x22: {  	[simem:s7], [sflag:s8] =	dma.local @!p0 [hbm:s6], $0xF7A  }
0x23: {  	s9 =	sor.u32 $0xD0000000, s2;
	s6 =	simm.s32 $0x108;
	_ =	swait.ge @!p0 [sflag:s8], $0x0  }
0x24: {  	s3 =	sadd.s32 $0x88, s3;
	s6 =	simm.s32 @!p1 $0x1082;
	[sflag:s4] =	ssyncset.s32 $0xFFFFF086  }
0x25: {  	[simem:s6], [sflag:s4] =	dma.local [hbm:s3], $0xF7A  }
0x26: {  	[smem:$0x3F86] =	sst s1;
	(tag) =	ssettag s2;
	_ =	strace s9  }
0x27: {  	s1 =	sld [smem:$0x3F96]  }
0x28: {  	s2 =	sld [smem:$0x3F97]  }
0x29: {  	s4 =	sld [smem:$0x3F99]  }
0x2a: {  	p0 =	seq.s32 s5, $0x0;
	s5 =	sld [smem:$0x3F9A]  }
0x2b: {  	s6 =	sld [smem:$0x3F9B]  }
0x2c: {  	s7 =	sld [smem:$0x3F9C]  }
0x2d: {  	s3 =	simm.s32 $0x108;
	s8 =	sld [smem:$0x3F9D]  }
0x2e: {  	s3 =	simm.s32 @!p0 $0x1082;
	s9 =	sld [smem:$0x3F9E]  }
0x2f: {  	lr =	sadd.s32 s0, s3;
	s0 =	sld [smem:$0x3F95]  }
0x30: {  	s3 =	sld [smem:$0x3F98]  }
0x31: {  	[smem:$0x3FA1] =	sst s10  }
0x32: {  	s10 =	sld [smem:$0x3F9F];
	_ =	sdelay $0x3  }
0x33: {  	p0 =	seq.s32 s10, $0x1;
	s10 =	sld [smem:$0x3FA1];
	_ =	sdelay $0x3  }
0x34: {  	[smem:$0x3FA1] =	sst s10  }
0x35: {  	s10 =	sld [smem:$0x3FA0];
	_ =	sdelay $0x3  }
0x36: {  	p1 =	seq.s32 s10, $0x1;
	s10 =	sld [smem:$0x3FA1];
	_ =	sdelay $0x3  }
0x37: {  	[smem:$0x3FA1] =	sst s10  }
0x38: {  	s10 =	sld [smem:$0x3FA2]  }
0x39: {  	_ = 	snop;
	(pc) =	sbr.ind lr, $3  }
0x3a: {  	_ = 	snop  }
0x3b: {  	_ = 	snop  }
0x3c: {  	p2 =	seq.s32 s10, $0x1;
	s10 =	sld [smem:$0x3FA1]  }
0x3d: {  	_ =	shalt  }
0x3e: {  	_ =	shalt  }
0x3f: {  	_ =	shalt  }
0x40: {  	_ =	shalt  }
0x41: {  	_ =	shalt  }
0x42: {  	_ =	shalt  }
0x43: {  	_ =	shalt  }
0x44: {  	_ =	shalt  }
0x45: {  	_ =	shalt  }
0x46: {  	_ =	shalt  }
0x47: {  	_ =	shalt  }
0x48: {  	_ =	shalt  }
0x49: {  	_ =	shalt  }
0x4a: {  	_ =	shalt  }
0x4b: {  	_ =	shalt  }
0x4c: {  	_ =	shalt  }
0x4d: {  	_ =	shalt  }
0x4e: {  	_ =	shalt  }
0x4f: {  	_ =	shalt  }
0x50: {  	_ =	shalt  }
0x51: {  	_ =	shalt  }
0x52: {  	_ =	shalt  }
0x53: {  	_ =	shalt  }
0x54: {  	_ =	shalt  }
0x55: {  	_ =	shalt  }
0x56: {  	_ =	shalt  }
0x57: {  	_ =	shalt  }
0x58: {  	_ =	shalt  }
0x59: {  	_ =	shalt  }
0x5a: {  	_ =	shalt  }
0x5b: {  	_ =	shalt  }
0x5c: {  	_ =	shalt  }
0x5d: {  	_ =	shalt  }
0x5e: {  	_ =	shalt  }
0x5f: {  	_ =	shalt  }
0x60: {  	_ =	shalt  }
0x61: {  	_ =	shalt  }
0x62: {  	_ =	shalt  }
0x63: {  	_ =	shalt  }
0x64: {  	_ =	shalt  }
0x65: {  	_ =	shalt  }
0x66: {  	_ =	shalt  }
0x67: {  	_ =	shalt  }
0x68: {  	_ =	shalt  }
0x69: {  	_ =	shalt  }
0x6a: {  	_ =	shalt  }
0x6b: {  	_ =	shalt  }
0x6c: {  	_ =	shalt  }
0x6d: {  	_ =	shalt  }
0x6e: {  	_ =	shalt  }
0x6f: {  	_ =	shalt  }
0x70: {  	_ =	shalt  }
0x71: {  	_ =	shalt  }
0x72: {  	_ =	shalt  }
0x73: {  	_ =	shalt  }
0x74: {  	_ =	shalt  }
0x75: {  	_ =	shalt  }
0x76: {  	_ =	shalt  }
0x77: {  	_ =	shalt  }
0x78: {  	_ =	shalt  }
0x79: {  	_ =	shalt  }
0x7a: {  	_ =	shalt  }
0x7b: {  	_ =	shalt  }
0x7c: {  	_ =	shalt  }
0x7d: {  	_ =	shalt  }
0x7e: {  	_ =	shalt  }
0x7f: {  	_ =	shalt  }
0x80: {  	_ =	shalt  }
0x81: {  	_ =	shalt  }
0x82: {  	_ =	shalt  }
0x83: {  	_ =	shalt  }
0x84: {  	_ =	shalt  }
0x85: {  	_ =	shalt  }
0x86: {  	_ =	shalt  }
0x87: {  	_ =	shalt  }
.Lfunc_end0:
.L_simem_size_0:
called_computation.3_lowered:
.L_overlay_start_0:
0x88: {  	s2 =	sld [smem:$0x3FD9]  }
0x89: {  	s3 =	sld [smem:$0x3FFE];
	_ =	sdelay $0x1  }
0x8a: {  	s1 =	srdreg.scid  }
0x8b: {  	s0 =	sand.u32 $0x1, s1  }
0x8c: {  	s16 =	sshll.u32 s0, $0xA;
	s2 =	sadd.s32 s3, s2  }
0x8d: {  	s2 =	sadd.s32 s2, s16  }
0x8e: {  	[smem:$0x3FAD] =	sst s2  }
0x8f: {  	_ = 	snop  }
0x90: {  	(tm) =	ssettm $0x1  }
0x91: {  	s17 =	sld [smem:$0x3FFB];
	_ =	sdelay $0x3  }
0x92: {  	_ =	strace s17  }
0x93: {  	s2 =	sld [smem:$0x3FFC];
	_ =	sdelay $0x3  }
0x94: {  	_ =	strace s2  }
0x95: {  	s2 =	sld [smem:$0x3FFD];
	_ =	sdelay $0x3  }
0x96: {  	_ =	strace s2  }
0x97: {  	_ =	strace $0x8FFFFFFF  }
0x98: {  	s18 =	sld [smem:$0x3FDB];
	_ =	sdelay $0x1  }
0x99: {  	s19 =	simm.s32 $_scs_section_size  }
0x9a: {  	s4 =	simm.s32 $_size__tile_overlayer_lowered;
	s5 =	simm.s32 $_tile_overlayer_lowered  }
0x9b: {  	s22 =	simm.s32 $0x1BFF;
	s21 =	sshll.u32 s5, $0x1;
	s2 =	sadd.s32 s19, s18  }
0x9c: {  	s6 =	simm.s32 $0x0;
	s20 =	sshll.u32 s4, $0x1;
	s4 =	sadd.s32 s21, s2  }
0x9d: {  	[timem:s6], [sflag:s22] =	dma.local [hbm:s4], s20  }
0x9e: {  	_ =	swait.ge [sflag:s22], s20  }
0x9f: {  	s3 =	ssub.s32 $0x0, s20;
	[sflag:s22] =	ssyncset.done $0x0  }
0xa0: {  	[sflag:s22] =	ssyncadd.s32 s3;
	_ =	sdelay $0x1  }
0xa1: {  	s23 =	simm.s32 $0x1B8B  }
0xa2: {  	_ =	swait.ge [sflag:s23], $0x1  }
0xa3: {  	[sflag:s23] =	ssyncset.done $0x0  }
0xa4: {  	s25 =	simm.s32 $0x1B8E;
	s24 =	sld [smem:$0x3FFE];
	[sflag:s23] =	ssyncadd.s32 $0xFFFFFFFF  }
0xa5: {  	s26 =	simm.s32 $execute0_lowered;
	[smem:$0x3FD2] =	sst s25  }
0xa6: {  	s4 =	sshll.u32 s26, $0x1;
	_ =	strace $0x8000004F;
	[dreg:$0x1] =	wrdreg $0xFFFFFFFF  }
0xa7: {  	s28 =	simm.s32 $_size_execute0_lowered;
	s2 =	sadd.s32 s2, s4;
	[dreg:$0x0] =	wrdreg $0x0  }
0xa8: {  	s4 =	sshll.u32 s28, $0x1;
	[dreg:$0x2] =	wrdreg s2  }
0xa9: {  	[dreg:$0x3] =	wrdreg s4  }
0xaa: {  	[dreg:$0x4] =	wrdreg $0xC0  }
0xab: {  	_ =	task [dreg:s6], $0x5FFFF  }
0xac: {  	[dreg:$0x1] =	wrdreg $0xFFFFFFFF  }
0xad: {  	[dreg:$0x0] =	wrdreg $0x60  }
0xae: {  	[dreg:$0x2] =	wrdreg s24  }
0xaf: {  	[dreg:$0x3] =	wrdreg $0xB0000  }
0xb0: {  	[dreg:$0x4] =	wrdreg $0x9  }
0xb1: {  	_ =	task.clear_ibuf [dreg:s6], $0x5FFFF;
	_ =	strace $0x9000004F  }
0xb2: {  	s29 =	simm.s32 $0x9;
	_ =	strace $0x80000051  }
0xb3: {  	_ =	swait.ge [sflag:s29], $0x1  }
0xb4: {  	[sflag:s29] =	ssyncadd.s32 $0xFFFFFFFF  }
0xb5: {  	_ =	strace $0x90000051  }
0xb6: {  	_ =	sfence  }
0xb7: {  	s30 =	sld [smem:$0x0];
	_ =	sdelay $0x2  }
0xb8: {  	s31 =	sshll.u32 s1, $0xD;
	s1 =	sshrl.u32 s1, $0x2  }
0xb9: {  	s3 =	sand.u32 $0x4000, s31;
	s1 =	sadd.s32 s1, s30  }
0xba: {  	s0 =	sor.u32 s3, s0;
	s1 =	sshll.u32 s1, $0x11  }
0xbb: {  	s0 =	sor.u32 s1, s0  }
0xbc: {  	s0 =	sadd.s32 $0x8F2B, s0  }
0xbd: {  	[sflag:s0] =	ssyncadd.remote.s32 $0x1  }
0xbe: {  	_ =	sfence.sel $0xFFFF  }
0xbf: {  	[dreg:$0x0] =	wrdreg $0xFFFFFFFF;
	(pc) =	sbr.abs _section_cstart, $3  }
0xc0: {  	[dreg:$0x1] =	wrdreg $0xFFFFFFFF  }
0xc1: {  	_ =	task.clear_ibuf [dreg:s6], $0x2FFFF;
	_ =	strace $0x9FFFFFFF  }
0xc2: {  	(tm) =	ssettm $0x7FFFFFFF  }
0xc3: {  	_ =	shalt  }
tec
execute0_lowered:
.L_overlay_start_1:
0x0: {  	(tag) =	ssettag $0x1  }
0x1: {  	s0 =	srdreg.scid;
	s6 =	rddreg [dreg:$0x0]  }
0x2: {  	s2 =	rddreg [dreg:$0x1];
	s3 =	simm.s32 $0x0;
	s15 =	simm.s32 $0x7000  }
0x3: {  	s16 =	simm.s32 $0x1;
	s9 =	sand.u32 $0x1, s0;
	s0 =	stileid.u32  }
0x4: {  	s17 =	simm.s32 $0x0;
	[smem:$0x7FF] =	sst s3;
	s7 =	smul.u32 $0x13C000, s9  }
0x5: {  	s4 =	sadd.s32 $0x24600, s6;
	s1 =	sshll.u32 s9, $0x4;
	s8 =	smul.u32 $0x13C00, s0  }
0x6: {  	s28 =	ssub.s32 $0x2, s9;
	s11 =	smul.u32 $0x4F000, s0;
	s31 =	sshll.u32 s0, $0x6  }
0x7: {  	p0 =	seq.s32 s9, $0x0;
	s9 =	simm.s32 $0x70;
	s1 =	sor.u32 s0, s1  }
0x8: {  	s29 =	sshrl.u32 s28, $0x1;
	s9 =	simm.s32 @!p0 $0x30;
	s5 =	smul.u32 $0x700, s1  }
0x9: {  	s1 =	rddreg [dreg:$0x2];
	_ =	strace $0x80000050;
	s26 =	sadd.s32 s8, s7  }
0xa: {  	s13 =	ssub.s32 s28, s29;
	s30 =	sshrl.u32 s11, $0x2;
	s7 =	sshrl.u32 s26, $0x3  }
0xb: {  	s14 =	sadd.s32 s30, s2;
	s11 =	smax.u32 s13, $0x1;
	s13 =	simm.s32 $0x2  }
0xc: {  	s10 =	sadd.s32 s5, s6;
	s5 =	sadd.s32 $0x72A00, s6;
	s12 =	sadd.s32 s7, s6  }
0xd: {  	s6 =	sor.u32 $0x1C02, s31;
	s7 =	sadd.s32 $0x8600, s10;
	s8 =	sadd.s32 $0x16600, s10  }
0xe: {  	s10 =	sadd.s32 $0x75200, s12;
	s12 =	sshrl.u32 s14, $0x3;
	s14 =	simm.s32 $0x80  }
.LBB2_1:
0xf: {  	[spmem:s12], [sflag:s6] =	dma.local [hbm:s5], $0x2780  }
0x10: {  	_ =	swait.ge [sflag:s13], $0x2780  }
0x11: {  	[sflag:s13] =	ssyncset.done $0x0  }
0x12: {  	[sflag:s13] =	ssyncadd.s32 $0xFFFFD880  }
0x13: {  	[tilespmem:s3], [sflag:$0x2] =	stream.linear.gather [hbm4b:s7+s3], $0x3800, $0x38;
	[tilespmem:$0x1EC00] =	vst v63  }
0x14: {  	_ =	swait.ge [sflag:s13], $0x3800  }
0x15: {  	[sflag:s13] =	ssyncset.done $0x0  }
0x16: {  	s18 =	simm.s32 $0x3800;
	[sflag:s13] =	ssyncadd.s32 $0xFFFFC800  }
0x17: {  	[tilespmem:s18], [sflag:$0x2] =	stream.linear.gather [hbm4b:s8+s3], $0x3800, $0x38;
	[tilespmem:$0x1EC00] =	vst v63  }
0x18: {  	_ =	swait.ge [sflag:s13], $0x3800  }
0x19: {  	[sflag:s13] =	ssyncset.done $0x0  }
0x1a: {  	[sflag:s13] =	ssyncadd.s32 $0xFFFFC800  }
0x1b: {  	[bflag:$0x0] =	sbarrier.arrive $0xFFFF  }
0x1c: {  	[tilespmem:s15], [sflag:$0x1] =	stream.indirect.gather [hbm4b:s4+s14], $0x80, s3, s14, $0xb8;
	[tilespmem:$0x1EC00] =	vst v63  }
0x1d: {  	p0 =	sne.s32 s9, $0x1;
	_ =	swait.ge [sflag:s16], $0x4000  }
.Ltmp0:
0x1e: {  	[sflag:s16] =	ssyncset.done $0x0;
	(pc) =	sbr.rel @!p0 .LBB2_3-.Ltmp0, $4  }
0x1f: {  	[sflag:s16] =	ssyncadd.s32 $0xFFFFC000  }
0x20: {  	[spmem:s2] =	stream.indirect.scatter.add.f32 [tilespmem:s15], [sflag:$0x2], $0x80, s18, s14, $0xb8;
	[tilespmem:$0x1EC00] =	vst v63  }
0x21: {  	_ =	swait.ge [sflag:s13], $0x4000  }
0x22: {  	s19 =	sadd.s32 $0xFFFFFFFF, s9;
	s20 =	simm.s32 $0x0;
	[sflag:s13] =	ssyncset.done $0x0  }
.LBB2_2:
0x23: {  	[sflag:s13] =	ssyncadd.s32 $0xFFFFC000;
	s20 =	sadd.s32 $0x80, s20;
	s18 =	sadd.s32 $0x80, s18  }
0x24: {  	[tilespmem:s15], [sflag:$0x1] =	stream.indirect.gather [hbm4b:s4+s14], $0x80, s20, s14, $0xb8;
	[tilespmem:$0x1EC00] =	vst v63  }
0x25: {  	p0 =	sne.s32 s19, $0x1;
	s19 =	sadd.s32 $0xFFFFFFFF, s19;
	_ =	swait.ge [sflag:s16], $0x4000  }
.Ltmp1:
0x26: {  	[sflag:s16] =	ssyncset.done $0x0;
	(pc) =	sbr.rel @p0 .LBB2_2-.Ltmp1, $4  }
0x27: {  	[sflag:s16] =	ssyncadd.s32 $0xFFFFC000  }
0x28: {  	[spmem:s2] =	stream.indirect.scatter.add.f32 [tilespmem:s15], [sflag:$0x2], $0x80, s18, s14, $0xb8;
	[tilespmem:$0x1EC00] =	vst v63  }
0x29: {  	_ =	swait.ge [sflag:s13], $0x4000  }
0x2a: {  	[sflag:s13] =	ssyncset.done $0x0  }
.LBB2_3:
0x2b: {  	s17 =	sadd.s32 $0x1, s17  }
0x2c: {  	[sflag:s13] =	ssyncadd.s32 $0xFFFFC000;
	p0 =	sne.s32 s17, s11  }
.Ltmp2:
0x2d: {  	[bflag:$0x0] =	sbarrier.arrive $0xFFFF;
	(pc) =	sbr.rel @p0 .LBB2_1-.Ltmp2, $4  }
0x2e: {  	[hbm:s10], [sflag:s6] =	dma.local [spmem:s12], $0x2780  }
0x2f: {  	_ =	swait.ge [sflag:s13], $0x2780  }
0x30: {  	[sflag:s13] =	ssyncset.done $0x0  }
0x31: {  	[sflag:s13] =	ssyncadd.s32 $0xFFFFD880  }
0x32: {  	_ =	sfence.sel $0x180000  }
0x33: {  	[bflag:$0x0] =	sbarrier.arrive $0xFFFF  }
0x34: {  	p0 =	sne.s32 s0, $0x0;
	_ =	strace $0x90000050  }
0x35: {  	s0 =	sadd.s32 @!p0 $0x100000, s1;
	[bflag:$0x2] =	sbarrier.arrive $0xFFFF  }
0x36: {  	[sflag:s0] =	ssyncadd.tile.s32 @!p0 $0x1;
	_ =	shalt  }
.Lfunc_end2:
_tile_overlayer_lowered:
.L_overlay_start_2:
0x37: {  	(tag) =	ssettag $0x2  }
0x38: {  	s0 =	rddreg [dreg:$0x0];
	s2 =	stileid.u32  }
0x39: {  	s1 =	rddreg [dreg:$0x1];
	p0 =	sne.s32 s2, $0x0  }
0x3a: {  	s3 =	rddreg [dreg:$0x2];
	[bflag:$0x3] =	sbarrier.arrive $0xFFFF;
	s2 =	simm.s32 @!p0 $0x1C02  }
0x3b: {  	[timem:s3], [sflag:s2] =	dma.local @!p0 [hbm:s0], s1  }
0x3c: {  	s0 =	simm.s32 @!p0 $0x2  }
0x3d: {  	_ =	swait.ge @!p0 [sflag:s0], s1  }
0x3e: {  	s1 =	ssub.s32 @!p0 $0x0, s1;
	[sflag:s0] =	ssyncset.done @!p0 $0x0  }
0x3f: {  	[sflag:s0] =	ssyncadd.s32 @!p0 s1  }
0x40: {  	[bflag:$0x3] =	sbarrier.arrive $0xFFFF  }
0x41: {  	_ =	shalt  }

// kernel: kernel.24.cloned.1.call-start
scs
__scs_entry_jumppad:
0x0: {  	(pc) =	sbr.rel $0x88, $3  }
0x1: {  	(tag) =	ssettag $0x0;
	lr =	simm.s32 $0x1  }
0x2: {  	[smem:$0x3F86] =	sst lr;
	_ =	strace $0xD0000000  }
0x3: {  	_ = 	snop  }
0x4: {  	_ = 	snop  }
0x5: {  	_ = 	snop  }
0x6: {  	_ = 	snop  }
0x7: {  	_ = 	snop  }
__scs_overlays_trampoline_lowered:
0x8: {  	[smem:$0x3F95] =	sst s0  }
0x9: {  	[smem:$0x3F96] =	sst s1  }
0xa: {  	[smem:$0x3F97] =	sst s2  }
0xb: {  	[smem:$0x3F98] =	sst s3  }
0xc: {  	[smem:$0x3F99] =	sst s4  }
0xd: {  	[smem:$0x3F9A] =	sst s5  }
0xe: {  	[smem:$0x3F9B] =	sst s6  }
0xf: {  	[smem:$0x3F9C] =	sst s7  }
0x10: {  	[smem:$0x3F9D] =	sst s8  }
0x11: {  	[smem:$0x3F9E] =	sst s9;
	s0 =	simm.s32 @!p0 $0x0  }
0x12: {  	s1 =	sld [smem:$0x3F84];
	s0 =	simm.s32 @p0 $0x1  }
0x13: {  	[smem:$0x3F9F] =	sst s0;
	s0 =	simm.s32 @!p1 $0x0  }
0x14: {  	s2 =	sld [smem:$0x3F83];
	s0 =	simm.s32 @p1 $0x1  }
0x15: {  	[smem:$0x3FA0] =	sst s0;
	s0 =	simm.s32 @!p2 $0x0  }
0x16: {  	s3 =	sld [smem:$0x3FDB];
	s0 =	simm.s32 @p2 $0x1  }
0x17: {  	s4 =	simm.s32 $0x1BF5;
	[smem:$0x3FA2] =	sst s0  }
0x18: {  	s0 =	sld [smem:$0x3F85];
	_ =	swait.ge [sflag:s4], $0x0  }
0x19: {  	s7 =	sld [smem:$0x3F86]  }
0x1a: {  	s8 =	sadd.s32 $0xFFFFE003, lr  }
0x1b: {  	s9 =	sadd.s32 $0xFFFFFEF7, lr;
	s5 =	simm.s32 $0xFFFFFFFF;
	p2 =	slt.u32 s8, $0xFFFFF086  }
0x1c: {  	p1 =	slt.u32 s9, $0xF7A;
	s5 =	simm.s32 @!p2 $0x0  }
0x1d: {  	s5 =	simm.s32 @p1 $0x1;
	p0 =	seq.s32 s7, s2  }
0x1e: {  	s7 =	smul.u32 @!p0 $0xF7A, s2;
	p2 =	seq.s32 @!p0 s5, $0x0  }
0x1f: {  	s9 =	smul.u32 $0xF7A, s1;
	s8 =	simm.s32 @!p0 $0x1BF5;
	p2 =	por !p2, p0  }
0x20: {  	[sflag:s8] =	ssyncset.s32 @!p0 $0xFFFFF086;
	s6 =	sadd.s32 @!p0 s3, s7;
	s7 =	simm.s32 @!p0 $0x108  }
0x21: {  	s3 =	sadd.s32 s3, s9;
	s6 =	sadd.s32 @!p0 $0x88, s6;
	s7 =	simm.s32 @p2 $0x1082  }
0x22: {  	[simem:s7], [sflag:s8] =	dma.local @!p0 [hbm:s6], $0xF7A  }
0x23: {  	s9 =	sor.u32 $0xD0000000, s2;
	s6 =	simm.s32 $0x108;
	_ =	swait.ge @!p0 [sflag:s8], $0x0  }
0x24: {  	s3 =	sadd.s32 $0x88, s3;
	s6 =	simm.s32 @!p1 $0x1082;
	[sflag:s4] =	ssyncset.s32 $0xFFFFF086  }
0x25: {  	[simem:s6], [sflag:s4] =	dma.local [hbm:s3], $0xF7A  }
0x26: {  	[smem:$0x3F86] =	sst s1;
	(tag) =	ssettag s2;
	_ =	strace s9  }
0x27: {  	s1 =	sld [smem:$0x3F96]  }
0x28: {  	s2 =	sld [smem:$0x3F97]  }
0x29: {  	s4 =	sld [smem:$0x3F99]  }
0x2a: {  	p0 =	seq.s32 s5, $0x0;
	s5 =	sld [smem:$0x3F9A]  }
0x2b: {  	s6 =	sld [smem:$0x3F9B]  }
0x2c: {  	s7 =	sld [smem:$0x3F9C]  }
0x2d: {  	s3 =	simm.s32 $0x108;
	s8 =	sld [smem:$0x3F9D]  }
0x2e: {  	s3 =	simm.s32 @!p0 $0x1082;
	s9 =	sld [smem:$0x3F9E]  }
0x2f: {  	lr =	sadd.s32 s0, s3;
	s0 =	sld [smem:$0x3F95]  }
0x30: {  	s3 =	sld [smem:$0x3F98]  }
0x31: {  	[smem:$0x3FA1] =	sst s10  }
0x32: {  	s10 =	sld [smem:$0x3F9F];
	_ =	sdelay $0x3  }
0x33: {  	p0 =	seq.s32 s10, $0x1;
	s10 =	sld [smem:$0x3FA1];
	_ =	sdelay $0x3  }
0x34: {  	[smem:$0x3FA1] =	sst s10  }
0x35: {  	s10 =	sld [smem:$0x3FA0];
	_ =	sdelay $0x3  }
0x36: {  	p1 =	seq.s32 s10, $0x1;
	s10 =	sld [smem:$0x3FA1];
	_ =	sdelay $0x3  }
0x37: {  	[smem:$0x3FA1] =	sst s10  }
0x38: {  	s10 =	sld [smem:$0x3FA2]  }
0x39: {  	_ = 	snop;
	(pc) =	sbr.ind lr, $3  }
0x3a: {  	_ = 	snop  }
0x3b: {  	_ = 	snop  }
0x3c: {  	p2 =	seq.s32 s10, $0x1;
	s10 =	sld [smem:$0x3FA1]  }
0x3d: {  	_ =	shalt  }
0x3e: {  	_ =	shalt  }
0x3f: {  	_ =	shalt  }
0x40: {  	_ =	shalt  }
0x41: {  	_ =	shalt  }
0x42: {  	_ =	shalt  }
0x43: {  	_ =	shalt  }
0x44: {  	_ =	shalt  }
0x45: {  	_ =	shalt  }
0x46: {  	_ =	shalt  }
0x47: {  	_ =	shalt  }
0x48: {  	_ =	shalt  }
0x49: {  	_ =	shalt  }
0x4a: {  	_ =	shalt  }
0x4b: {  	_ =	shalt  }
0x4c: {  	_ =	shalt  }
0x4d: {  	_ =	shalt  }
0x4e: {  	_ =	shalt  }
0x4f: {  	_ =	shalt  }
0x50: {  	_ =	shalt  }
0x51: {  	_ =	shalt  }
0x52: {  	_ =	shalt  }
0x53: {  	_ =	shalt  }
0x54: {  	_ =	shalt  }
0x55: {  	_ =	shalt  }
0x56: {  	_ =	shalt  }
0x57: {  	_ =	shalt  }
0x58: {  	_ =	shalt  }
0x59: {  	_ =	shalt  }
0x5a: {  	_ =	shalt  }
0x5b: {  	_ =	shalt  }
0x5c: {  	_ =	shalt  }
0x5d: {  	_ =	shalt  }
0x5e: {  	_ =	shalt  }
0x5f: {  	_ =	shalt  }
0x60: {  	_ =	shalt  }
0x61: {  	_ =	shalt  }
0x62: {  	_ =	shalt  }
0x63: {  	_ =	shalt  }
0x64: {  	_ =	shalt  }
0x65: {  	_ =	shalt  }
0x66: {  	_ =	shalt  }
0x67: {  	_ =	shalt  }
0x68: {  	_ =	shalt  }
0x69: {  	_ =	shalt  }
0x6a: {  	_ =	shalt  }
0x6b: {  	_ =	shalt  }
0x6c: {  	_ =	shalt  }
0x6d: {  	_ =	shalt  }
0x6e: {  	_ =	shalt  }
0x6f: {  	_ =	shalt  }
0x70: {  	_ =	shalt  }
0x71: {  	_ =	shalt  }
0x72: {  	_ =	shalt  }
0x73: {  	_ =	shalt  }
0x74: {  	_ =	shalt  }
0x75: {  	_ =	shalt  }
0x76: {  	_ =	shalt  }
0x77: {  	_ =	shalt  }
0x78: {  	_ =	shalt  }
0x79: {  	_ =	shalt  }
0x7a: {  	_ =	shalt  }
0x7b: {  	_ =	shalt  }
0x7c: {  	_ =	shalt  }
0x7d: {  	_ =	shalt  }
0x7e: {  	_ =	shalt  }
0x7f: {  	_ =	shalt  }
0x80: {  	_ =	shalt  }
0x81: {  	_ =	shalt  }
0x82: {  	_ =	shalt  }
0x83: {  	_ =	shalt  }
0x84: {  	_ =	shalt  }
0x85: {  	_ =	shalt  }
0x86: {  	_ =	shalt  }
0x87: {  	_ =	shalt  }
.Lfunc_end0:
.L_simem_size_0:
called_computation.4_lowered:
.L_overlay_start_0:
0x88: {  	s2 =	sld [smem:$0x3FD9]  }
0x89: {  	s3 =	sld [smem:$0x3FFE];
	_ =	sdelay $0x1  }
0x8a: {  	s1 =	srdreg.scid  }
0x8b: {  	s0 =	sand.u32 $0x1, s1  }
0x8c: {  	s16 =	sshll.u32 s0, $0xA;
	s2 =	sadd.s32 s3, s2  }
0x8d: {  	s2 =	sadd.s32 s2, s16  }
0x8e: {  	[smem:$0x3FAD] =	sst s2  }
0x8f: {  	_ = 	snop  }
0x90: {  	(tm) =	ssettm $0x1  }
0x91: {  	s17 =	sld [smem:$0x3FFB];
	_ =	sdelay $0x3  }
0x92: {  	_ =	strace s17  }
0x93: {  	s2 =	sld [smem:$0x3FFC];
	_ =	sdelay $0x3  }
0x94: {  	_ =	strace s2  }
0x95: {  	s2 =	sld [smem:$0x3FFD];
	_ =	sdelay $0x3  }
0x96: {  	_ =	strace s2  }
0x97: {  	_ =	strace $0x8FFFFFFF  }
0x98: {  	s18 =	sld [smem:$0x3FDB];
	_ =	sdelay $0x1  }
0x99: {  	s19 =	simm.s32 $_scs_section_size  }
0x9a: {  	s4 =	simm.s32 $_size__tile_overlayer_lowered;
	s5 =	simm.s32 $_tile_overlayer_lowered  }
0x9b: {  	s22 =	simm.s32 $0x1BFF;
	s21 =	sshll.u32 s5, $0x1;
	s2 =	sadd.s32 s19, s18  }
0x9c: {  	s6 =	simm.s32 $0x0;
	s20 =	sshll.u32 s4, $0x1;
	s4 =	sadd.s32 s21, s2  }
0x9d: {  	[timem:s6], [sflag:s22] =	dma.local [hbm:s4], s20  }
0x9e: {  	_ =	swait.ge [sflag:s22], s20  }
0x9f: {  	s3 =	ssub.s32 $0x0, s20;
	[sflag:s22] =	ssyncset.done $0x0  }
0xa0: {  	[sflag:s22] =	ssyncadd.s32 s3;
	_ =	sdelay $0x1  }
0xa1: {  	s23 =	simm.s32 $0x1B8B  }
0xa2: {  	_ =	swait.ge [sflag:s23], $0x1  }
0xa3: {  	[sflag:s23] =	ssyncset.done $0x0  }
0xa4: {  	s25 =	simm.s32 $0x1B8E;
	s24 =	sld [smem:$0x3FFE];
	[sflag:s23] =	ssyncadd.s32 $0xFFFFFFFF  }
0xa5: {  	s26 =	simm.s32 $execute0_lowered;
	[smem:$0x3FD2] =	sst s25  }
0xa6: {  	s4 =	sshll.u32 s26, $0x1;
	_ =	strace $0x80000052;
	[dreg:$0x1] =	wrdreg $0xFFFFFFFF  }
0xa7: {  	s28 =	simm.s32 $_size_execute0_lowered;
	s2 =	sadd.s32 s2, s4;
	[dreg:$0x0] =	wrdreg $0x0  }
0xa8: {  	s4 =	sshll.u32 s28, $0x1;
	[dreg:$0x2] =	wrdreg s2  }
0xa9: {  	[dreg:$0x3] =	wrdreg s4  }
0xaa: {  	[dreg:$0x4] =	wrdreg $0xC0  }
0xab: {  	_ =	task [dreg:s6], $0x5FFFF  }
0xac: {  	[dreg:$0x1] =	wrdreg $0xFFFFFFFF  }
0xad: {  	[dreg:$0x0] =	wrdreg $0x60  }
0xae: {  	[dreg:$0x2] =	wrdreg s24  }
0xaf: {  	[dreg:$0x3] =	wrdreg $0xB0000  }
0xb0: {  	[dreg:$0x4] =	wrdreg $0x9  }
0xb1: {  	_ =	task.clear_ibuf [dreg:s6], $0x5FFFF;
	_ =	strace $0x90000052  }
0xb2: {  	s29 =	simm.s32 $0x9;
	_ =	strace $0x80000054  }
0xb3: {  	_ =	swait.ge [sflag:s29], $0x1  }
0xb4: {  	[sflag:s29] =	ssyncadd.s32 $0xFFFFFFFF  }
0xb5: {  	_ =	strace $0x90000054  }
0xb6: {  	_ =	sfence  }
0xb7: {  	s30 =	sld [smem:$0x0];
	_ =	sdelay $0x2  }
0xb8: {  	s31 =	sshll.u32 s1, $0xD;
	s1 =	sshrl.u32 s1, $0x2  }
0xb9: {  	s3 =	sand.u32 $0x4000, s31;
	s1 =	sadd.s32 s1, s30  }
0xba: {  	s0 =	sor.u32 s3, s0;
	s1 =	sshll.u32 s1, $0x11  }
0xbb: {  	s0 =	sor.u32 s1, s0  }
0xbc: {  	s0 =	sadd.s32 $0x8F2B, s0  }
0xbd: {  	[sflag:s0] =	ssyncadd.remote.s32 $0x1  }
0xbe: {  	_ =	sfence.sel $0xFFFF  }
0xbf: {  	[dreg:$0x0] =	wrdreg $0xFFFFFFFF;
	(pc) =	sbr.abs _section_cstart, $3  }
0xc0: {  	[dreg:$0x1] =	wrdreg $0xFFFFFFFF  }
0xc1: {  	_ =	task.clear_ibuf [dreg:s6], $0x2FFFF;
	_ =	strace $0x9FFFFFFF  }
0xc2: {  	(tm) =	ssettm $0x7FFFFFFF  }
0xc3: {  	_ =	shalt  }
tec
execute0_lowered:
.L_overlay_start_1:
0x0: {  	(tag) =	ssettag $0x1  }
0x1: {  	s0 =	srdreg.scid;
	s6 =	rddreg [dreg:$0x0]  }
0x2: {  	s2 =	rddreg [dreg:$0x1];
	s3 =	simm.s32 $0x0;
	s15 =	simm.s32 $0x7000  }
0x3: {  	s16 =	simm.s32 $0x1;
	s9 =	sand.u32 $0x1, s0;
	s0 =	stileid.u32  }
0x4: {  	s17 =	simm.s32 $0x0;
	[smem:$0x7FF] =	sst s3;
	s7 =	smul.u32 $0x13C000, s9  }
0x5: {  	s4 =	sadd.s32 $0x24600, s6;
	s1 =	sshll.u32 s9, $0x4;
	s8 =	smul.u32 $0x13C00, s0  }
0x6: {  	s28 =	ssub.s32 $0x2, s9;
	s11 =	smul.u32 $0x4F000, s0;
	s31 =	sshll.u32 s0, $0x6  }
0x7: {  	p0 =	seq.s32 s9, $0x0;
	s9 =	simm.s32 $0x70;
	s1 =	sor.u32 s0, s1  }
0x8: {  	s29 =	sshrl.u32 s28, $0x1;
	s9 =	simm.s32 @!p0 $0x30;
	s5 =	smul.u32 $0x700, s1  }
0x9: {  	s1 =	rddreg [dreg:$0x2];
	_ =	strace $0x80000053;
	s26 =	sadd.s32 s8, s7  }
0xa: {  	s13 =	ssub.s32 s28, s29;
	s30 =	sshrl.u32 s11, $0x2;
	s7 =	sshrl.u32 s26, $0x3  }
0xb: {  	s14 =	sadd.s32 s30, s2;
	s11 =	smax.u32 s13, $0x1;
	s13 =	simm.s32 $0x2  }
0xc: {  	s10 =	sadd.s32 s5, s6;
	s5 =	sadd.s32 $0x72A00, s6;
	s12 =	sadd.s32 s7, s6  }
0xd: {  	s6 =	sor.u32 $0x1C02, s31;
	s7 =	sadd.s32 $0x8600, s10;
	s8 =	sadd.s32 $0x16600, s10  }
0xe: {  	s10 =	sadd.s32 $0x75200, s12;
	s12 =	sshrl.u32 s14, $0x3;
	s14 =	simm.s32 $0x80  }
.LBB2_1:
0xf: {  	[spmem:s12], [sflag:s6] =	dma.local [hbm:s5], $0x2780  }
0x10: {  	_ =	swait.ge [sflag:s13], $0x2780  }
0x11: {  	[sflag:s13] =	ssyncset.done $0x0  }
0x12: {  	[sflag:s13] =	ssyncadd.s32 $0xFFFFD880  }
0x13: {  	[tilespmem:s3], [sflag:$0x2] =	stream.linear.gather [hbm4b:s7+s3], $0x3800, $0x38;
	[tilespmem:$0x1EC00] =	vst v63  }
0x14: {  	_ =	swait.ge [sflag:s13], $0x3800  }
0x15: {  	[sflag:s13] =	ssyncset.done $0x0  }
0x16: {  	s18 =	simm.s32 $0x3800;
	[sflag:s13] =	ssyncadd.s32 $0xFFFFC800  }
0x17: {  	[tilespmem:s18], [sflag:$0x2] =	stream.linear.gather [hbm4b:s8+s3], $0x3800, $0x38;
	[tilespmem:$0x1EC00] =	vst v63  }
0x18: {  	_ =	swait.ge [sflag:s13], $0x3800  }
0x19: {  	[sflag:s13] =	ssyncset.done $0x0  }
0x1a: {  	[sflag:s13] =	ssyncadd.s32 $0xFFFFC800  }
0x1b: {  	[bflag:$0x0] =	sbarrier.arrive $0xFFFF  }
0x1c: {  	[tilespmem:s15], [sflag:$0x1] =	stream.indirect.gather [hbm4b:s4+s14], $0x80, s3, s14, $0xb8;
	[tilespmem:$0x1EC00] =	vst v63  }
0x1d: {  	p0 =	sne.s32 s9, $0x1;
	_ =	swait.ge [sflag:s16], $0x4000  }
.Ltmp0:
0x1e: {  	[sflag:s16] =	ssyncset.done $0x0;
	(pc) =	sbr.rel @!p0 .LBB2_3-.Ltmp0, $4  }
0x1f: {  	[sflag:s16] =	ssyncadd.s32 $0xFFFFC000  }
0x20: {  	[spmem:s2] =	stream.indirect.scatter.add.f32 [tilespmem:s15], [sflag:$0x2], $0x80, s18, s14, $0xb8;
	[tilespmem:$0x1EC00] =	vst v63  }
0x21: {  	_ =	swait.ge [sflag:s13], $0x4000  }
0x22: {  	s19 =	sadd.s32 $0xFFFFFFFF, s9;
	s20 =	simm.s32 $0x0;
	[sflag:s13] =	ssyncset.done $0x0  }
.LBB2_2:
0x23: {  	[sflag:s13] =	ssyncadd.s32 $0xFFFFC000;
	s20 =	sadd.s32 $0x80, s20;
	s18 =	sadd.s32 $0x80, s18  }
0x24: {  	[tilespmem:s15], [sflag:$0x1] =	stream.indirect.gather [hbm4b:s4+s14], $0x80, s20, s14, $0xb8;
	[tilespmem:$0x1EC00] =	vst v63  }
0x25: {  	p0 =	sne.s32 s19, $0x1;
	s19 =	sadd.s32 $0xFFFFFFFF, s19;
	_ =	swait.ge [sflag:s16], $0x4000  }
.Ltmp1:
0x26: {  	[sflag:s16] =	ssyncset.done $0x0;
	(pc) =	sbr.rel @p0 .LBB2_2-.Ltmp1, $4  }
0x27: {  	[sflag:s16] =	ssyncadd.s32 $0xFFFFC000  }
0x28: {  	[spmem:s2] =	stream.indirect.scatter.add.f32 [tilespmem:s15], [sflag:$0x2], $0x80, s18, s14, $0xb8;
	[tilespmem:$0x1EC00] =	vst v63  }
0x29: {  	_ =	swait.ge [sflag:s13], $0x4000  }
0x2a: {  	[sflag:s13] =	ssyncset.done $0x0  }
.LBB2_3:
0x2b: {  	s17 =	sadd.s32 $0x1, s17  }
0x2c: {  	[sflag:s13] =	ssyncadd.s32 $0xFFFFC000;
	p0 =	sne.s32 s17, s11  }
.Ltmp2:
0x2d: {  	[bflag:$0x0] =	sbarrier.arrive $0xFFFF;
	(pc) =	sbr.rel @p0 .LBB2_1-.Ltmp2, $4  }
0x2e: {  	[hbm:s10], [sflag:s6] =	dma.local [spmem:s12], $0x2780  }
0x2f: {  	_ =	swait.ge [sflag:s13], $0x2780  }
0x30: {  	[sflag:s13] =	ssyncset.done $0x0  }
0x31: {  	[sflag:s13] =	ssyncadd.s32 $0xFFFFD880  }
0x32: {  	_ =	sfence.sel $0x180000  }
0x33: {  	[bflag:$0x0] =	sbarrier.arrive $0xFFFF  }
0x34: {  	p0 =	sne.s32 s0, $0x0;
	_ =	strace $0x90000053  }
0x35: {  	s0 =	sadd.s32 @!p0 $0x100000, s1;
	[bflag:$0x2] =	sbarrier.arrive $0xFFFF  }
0x36: {  	[sflag:s0] =	ssyncadd.tile.s32 @!p0 $0x1;
	_ =	shalt  }
.Lfunc_end2:
_tile_overlayer_lowered:
.L_overlay_start_2:
0x37: {  	(tag) =	ssettag $0x2  }
0x38: {  	s0 =	rddreg [dreg:$0x0];
	s2 =	stileid.u32  }
0x39: {  	s1 =	rddreg [dreg:$0x1];
	p0 =	sne.s32 s2, $0x0  }
0x3a: {  	s3 =	rddreg [dreg:$0x2];
	[bflag:$0x3] =	sbarrier.arrive $0xFFFF;
	s2 =	simm.s32 @!p0 $0x1C02  }
0x3b: {  	[timem:s3], [sflag:s2] =	dma.local @!p0 [hbm:s0], s1  }
0x3c: {  	s0 =	simm.s32 @!p0 $0x2  }
0x3d: {  	_ =	swait.ge @!p0 [sflag:s0], s1  }
0x3e: {  	s1 =	ssub.s32 @!p0 $0x0, s1;
	[sflag:s0] =	ssyncset.done @!p0 $0x0  }
0x3f: {  	[sflag:s0] =	ssyncadd.s32 @!p0 s1  }
0x40: {  	[bflag:$0x3] =	sbarrier.arrive $0xFFFF  }
0x41: {  	_ =	shalt  }

</sc_bundles>
